<compile_context>
chip_gen: v7x
topology: tpu7x:2x2x1
jax: 0.10.2.dev20260603
libtpu: 0.0.44.dev20260713+nightly
codegen_flags: <defaults>
</compile_context>

<pallas_src>
import jax
import jax.numpy as jnp
from jax import lax
from jax.experimental import pallas as pl
from jax.experimental.pallas import tpu as pltpu
from jax.experimental.pallas import tpu_sc as plsc

F = 26
V = 100000
E = 16
B = 16384
NP = F * (F - 1) // 2
NIN = F * E

NC = 2
NS = 16
NW = NC * NS
ROWS_PER_W = NIN // NW
IC = 4096
NCK = B // IC
H0 = 49920
H1 = 50048
TAILW = 128
TBASE = V - TAILW
TROWS = 24


def _stage_plane(table_h, plane, psem, r):
    pltpu.async_copy(table_h.at[r, pl.ds(0, H0)], plane.at[pl.ds(0, H0)], psem)
    pltpu.async_copy(table_h.at[r, pl.ds(H0, H1)], plane.at[pl.ds(H0, H1)],
                     psem)


def _wait_plane(table_h, plane, psem, r):
    pltpu.make_async_copy(table_h.at[r, pl.ds(0, H0)], plane.at[pl.ds(0, H0)],
                          psem).wait()
    pltpu.make_async_copy(table_h.at[r, pl.ds(H0, H1)],
                          plane.at[pl.ds(H0, H1)], psem).wait()


def _sc_gather(table_h, tail_h, idxt_h, out_h, plane, tailv, ia, ib, oa, ob,
               psem, tsem, isem, oasem, obsem):
    wid = lax.axis_index("s") * NC + lax.axis_index("c")
    r0 = wid * ROWS_PER_W
    f0 = r0 // E

    _stage_plane(table_h, plane, psem, r0)
    r0a = jnp.minimum((r0 // 8) * 8, NIN - TROWS)
    du = r0 - r0a
    pltpu.async_copy(tail_h.at[pl.ds(r0a, TROWS), :], tailv, tsem)
    pltpu.async_copy(idxt_h.at[f0, pl.ds(0, IC)], ia, isem)
    pltpu.async_copy(table_h.at[r0, pl.ds(0, IC)], oa, oasem)
    pltpu.async_copy(table_h.at[r0, pl.ds(0, IC)], ob, obsem)
    pltpu.make_async_copy(tail_h.at[pl.ds(r0a, TROWS), :], tailv, tsem).wait()

    def unit(u, carry):
        r = r0 + u
        f = r // E
        rn = jnp.minimum(r + 1, NIN - 1)
        fn = rn // E
        not_last = u < ROWS_PER_W - 1

        _wait_plane(table_h, plane, psem, r)
        for t in range(2):
            plane[pl.ds(H0 + H1 + t * E, E)] = tailv[du + u, pl.ds(
                TAILW - 2 * E + t * E, E)]
        for c in range(NCK):
            ibuf = ia if c % 2 == 0 else ib
            nbuf = ib if c % 2 == 0 else ia
            obuf = oa if c % 2 == 0 else ob
            osem = oasem if c % 2 == 0 else obsem
            pltpu.make_async_copy(idxt_h.at[f, pl.ds(0, IC)], ibuf,
                                  isem).wait()
            if c < NCK - 1:
                pltpu.async_copy(idxt_h.at[f, pl.ds((c + 1) * IC, IC)],
                                 nbuf, isem)
            else:
                @pl.when(not_last)
                def _():
                    pltpu.async_copy(idxt_h.at[fn, pl.ds(0, IC)], nbuf, isem)
            pltpu.make_async_copy(obuf, out_h.at[r, pl.ds(c * IC, IC)],
                                  osem).wait()

            @plsc.parallel_loop(0, IC // E, unroll=16)
            def _(k):
                iv = ibuf[pl.ds(k * E, E)]
                obuf[pl.ds(k * E, E)] = plsc.load_gather(plane, [iv])

            pltpu.async_copy(obuf, out_h.at[r, pl.ds(c * IC, IC)], osem)
        @pl.when(not_last)
        def _():
            _stage_plane(table_h, plane, psem, rn)

        return carry

    lax.fori_loop(0, ROWS_PER_W, unit, 0)
    rl = r0 + ROWS_PER_W - 1
    pltpu.make_async_copy(oa, out_h.at[rl, pl.ds(2 * IC, IC)], oasem).wait()
    pltpu.make_async_copy(ob, out_h.at[rl, pl.ds(3 * IC, IC)], obsem).wait()


def _gather_call(table_t, table_tail, idx_t):
    mesh = plsc.VectorSubcoreMesh(core_axis_name="c", subcore_axis_name="s")
    return pl.kernel(
        _sc_gather,
        mesh=mesh,
        out_type=jax.ShapeDtypeStruct((NIN, B), jnp.float32),
        scratch_types=[
            pltpu.VMEM((V,), jnp.float32),
            pltpu.VMEM((TROWS, TAILW), jnp.float32),
            pltpu.VMEM((IC,), jnp.int32),
            pltpu.VMEM((IC,), jnp.int32),
            pltpu.VMEM((IC,), jnp.float32),
            pltpu.VMEM((IC,), jnp.float32),
            pltpu.SemaphoreType.DMA,
            pltpu.SemaphoreType.DMA,
            pltpu.SemaphoreType.DMA,
            pltpu.SemaphoreType.DMA,
            pltpu.SemaphoreType.DMA,
        ],
        compiler_params=pltpu.CompilerParams(
            use_tc_tiling_on_sc=True, needs_layout_passes=False
        ),
    )(table_t, table_tail, idx_t)


BB = 2048


def _tc_body(x_ref, w0at_ref, w0bt8_ref, b0_ref, w1_ref, b1_ref, o_ref, ipt_ref):
    xt = x_ref[:]
    xb = xt.astype(jnp.bfloat16)
    off = 0
    for i in range(F - 1):
        n = F - 1 - i
        a = xt[i * E:(i + 1) * E, :]
        rest = xt[(i + 1) * E:, :]
        prod = rest.reshape(n, E, BB) * a[None, :, :]
        s8 = prod[:, :8, :] + prod[:, 8:, :]
        ipt_ref[pl.ds(off * 8, n * 8), :] = s8.reshape(n * 8, BB).astype(
            jnp.bfloat16)
        off += n
    ht = (
        jnp.dot(w0at_ref[:], xb, preferred_element_type=jnp.float32)
        + jnp.dot(w0bt8_ref[:], ipt_ref[:], preferred_element_type=jnp.float32)
        + b0_ref[:]
    )
    ht = jnp.maximum(ht, 0.0)
    logit = jnp.dot(w1_ref[:], ht, preferred_element_type=jnp.float32) + b1_ref[:]
    o_ref[:] = (1.0 / (1.0 + jnp.exp(-logit))).reshape(1, 1, BB)


def _mlp_call(xt, w0at, w0bt8, b0c, w1r, b1c):
    grid = (B // BB,)
    return pl.pallas_call(
        _tc_body,
        grid=grid,
        in_specs=[
            pl.BlockSpec((NIN, BB), lambda i: (0, i)),
            pl.BlockSpec((400, NIN), lambda i: (0, 0)),
            pl.BlockSpec((400, NP * 8), lambda i: (0, 0)),
            pl.BlockSpec((400, 1), lambda i: (0, 0)),
            pl.BlockSpec((1, 400), lambda i: (0, 0)),
            pl.BlockSpec((1, 1), lambda i: (0, 0)),
        ],
        out_specs=pl.BlockSpec((1, 1, BB), lambda i: (i, 0, 0)),
        out_shape=jax.ShapeDtypeStruct((B // BB, 1, BB), jnp.float32),
        scratch_shapes=[pltpu.VMEM((NP * 8, BB), jnp.bfloat16)],
    )(xt, w0at, w0bt8, b0c, w1r, b1c)


def kernel(indices, tables, w0, b0, w1, b1):
    table_t = jnp.transpose(tables, (0, 2, 1)).reshape(NIN, V)
    table_tail = table_t[:, TBASE:]
    idx_t = indices.T
    xt = _gather_call(table_t, table_tail, idx_t)
    w0at = w0[:NIN].T.astype(jnp.bfloat16)
    w0bt8 = jnp.repeat(w0[NIN:].T, 8, axis=1).astype(jnp.bfloat16)
    y2d = _mlp_call(xt, w0at, w0bt8, b0.reshape(400, 1), w1.reshape(1, 400),
                    b1.reshape(1, 1))
    return y2d.reshape(B)

# --- scband reference (transcript-rebuilt; emitter-appended) ---
"""Pipeline reference for scband-pnn1-23210003267904 (READ-ONLY COPY).

The authoritative reference and input builder live on the scoring server;
editing this copy changes nothing except your own understanding.
"""

import jax, jax.numpy as jnp
import numpy as np

NUM_FIELDS = 26
VOCAB = 100000
EMBED = 16
BATCH = 16384
NUM_PAIRS = NUM_FIELDS * (NUM_FIELDS - 1) // 2
NODE_IN = NUM_FIELDS * EMBED + NUM_PAIRS


def setup_inputs(seed: int = 0) -> dict:
    key = jax.random.key(seed)
    k1, k2, k3, k4 = jax.random.split(key, 4)
    indices = jax.random.randint(k1, (BATCH, NUM_FIELDS), 0, VOCAB, dtype=jnp.int64 if jax.config.jax_enable_x64 else jnp.int32).astype(jnp.int32)
    tables = jax.random.normal(k2, (NUM_FIELDS, VOCAB, EMBED), dtype=jnp.float32) * 0.05
    w0 = jax.random.normal(k3, (NODE_IN, 400), dtype=jnp.float32) * (1.0 / np.sqrt(NODE_IN))
    b0 = jnp.zeros((400,), dtype=jnp.float32)
    w1 = jax.random.normal(k4, (400, 1), dtype=jnp.float32) * (1.0 / np.sqrt(400))
    b1 = jnp.zeros((1,), dtype=jnp.float32)
    return {"indices": indices, "tables": tables, "w0": w0, "b0": b0, "w1": w1, "b1": b1}


def reference(indices, tables, w0, b0, w1, b1):
    # Per-field embedding lookup (sparse one-hot matmul == gather)
    field_ids = jnp.arange(NUM_FIELDS)
    xw3d = tables[field_ids[None, :], indices]  # [B, F, E]
    xw = jnp.reshape(xw3d, (-1, NUM_FIELDS * EMBED))  # [B, F*E]
    row, col = [], []
    for i in range(NUM_FIELDS - 1):
        for j in range(i + 1, NUM_FIELDS):
            row.append(i)
            col.append(j)
    row = jnp.array(row)
    col = jnp.array(col)
    p = xw3d[:, row, :]  # [B, P, E]
    q = xw3d[:, col, :]  # [B, P, E]
    ip = jnp.sum(p * q, axis=-1)  # [B, P]
    l = jnp.concatenate([xw, ip], axis=1)  # [B, NODE_IN]
    l = jax.nn.relu(jnp.matmul(l, w0) + b0)  # dropout keep_prob=1 at test
    l = jnp.matmul(l, w1) + b1
    l = jnp.squeeze(l, axis=-1)
    y_prob = jax.nn.sigmoid(l)
    return y_prob

if __name__ == "__main__":
    import jax
    _d = setup_inputs()
    print(jax.jit(kernel)(*tuple(_d.values())))

</pallas_src>

<mosaic_0001>
#map = affine_map<(d0, d1) -> (0, 0)>
module attributes {stable_mosaic.version = 14 : i64} {
  func.func @_sc_gather(%arg0: i32, %arg1: i32, %arg2: memref<416x100000xf32, #tpu.memory_space<hbm>>, %arg3: memref<416x128xf32, #tpu.memory_space<hbm>>, %arg4: memref<26x16384xi32, #tpu.memory_space<hbm>>, %arg5: memref<416x16384xf32, #tpu.memory_space<hbm>>, %arg6: memref<100000xf32, #tpu.memory_space<vmem>>, %arg7: memref<24x128xf32, #tpu.memory_space<vmem>>, %arg8: memref<4096xi32, #tpu.memory_space<vmem>>, %arg9: memref<4096xi32, #tpu.memory_space<vmem>>, %arg10: memref<4096xf32, #tpu.memory_space<vmem>>, %arg11: memref<4096xf32, #tpu.memory_space<vmem>>, %arg12: memref<!tpu.dma_semaphore, #tpu.memory_space<semaphore_mem>>, %arg13: memref<!tpu.dma_semaphore, #tpu.memory_space<semaphore_mem>>, %arg14: memref<!tpu.dma_semaphore, #tpu.memory_space<semaphore_mem>>, %arg15: memref<!tpu.dma_semaphore, #tpu.memory_space<semaphore_mem>>, %arg16: memref<!tpu.dma_semaphore, #tpu.memory_space<semaphore_mem>>) attributes {dimension_semantics = [#tpu.dimension_semantics<core_parallel>, #tpu.dimension_semantics<subcore_parallel>], iteration_bounds = array<i64: 2, 16>, scalar_prefetch = 0 : i64, scratch_operands = 11 : i64, tpu.core_type = #tpu.core_type<sc_vector_subcore>, window_params = [{transform_indices = #map}, {transform_indices = #map}, {transform_indices = #map}, {transform_indices = #map}]} {
    %mul3A = arith.constant 2 : i32
    %mul3A_0 = arith.muli %arg1, %mul3A : i32
    %add3A = arith.addi %mul3A_0, %arg0 : i32
    %mul3A_1 = arith.constant 13 : i32
    %mul3A_2 = arith.muli %add3A, %mul3A_1 : i32
    %jit3A = arith.constant 16 : i32
    %div3A = arith.divsi %mul3A_2, %jit3A : i32
    %sign3A = arith.constant 0 : i32
    %sign3A_3 = arith.cmpi sgt, %mul3A_2, %sign3A : i32
    %sign3A_4 = arith.extui %sign3A_3 : i1 to i32
    %sign3A_5 = arith.constant 0 : i32
    %sign3A_6 = arith.cmpi slt, %mul3A_2, %sign3A_5 : i32
    %sign3A_7 = arith.extui %sign3A_6 : i1 to i32
    %sign3A_8 = arith.subi %sign3A_4, %sign3A_7 : i32
    %sign3A_9 = arith.constant 0 : i32
    %sign3A_10 = arith.cmpi sgt, %jit3A, %sign3A_9 : i32
    %sign3A_11 = arith.extui %sign3A_10 : i1 to i32
    %sign3A_12 = arith.constant 0 : i32
    %sign3A_13 = arith.cmpi slt, %jit3A, %sign3A_12 : i32
    %sign3A_14 = arith.extui %sign3A_13 : i1 to i32
    %sign3A_15 = arith.subi %sign3A_11, %sign3A_14 : i32
    %ne3A = arith.cmpi ne, %sign3A_8, %sign3A_15 : i32
    %rem3A = arith.remsi %mul3A_2, %jit3A : i32
    %ne3A_16 = arith.constant 0 : i32
    %ne3A_17 = arith.cmpi ne, %rem3A, %ne3A_16 : i32
    %and3A = arith.andi %ne3A, %ne3A_17 : i1
    %sub3A = arith.constant 1 : i32
    %sub3A_18 = arith.subi %div3A, %sub3A : i32
    %select_n3A = arith.select %and3A, %sub3A_18, %div3A : i32
    %dma_start3A = arith.constant 0 : i32
    %dma_start3A_19 = tpu.memref_slice %arg6[%dma_start3A] : memref<100000xf32, #tpu.memory_space<vmem>> -> memref<49920xf32, #tpu.memory_space<vmem>>
    %dma_start3A_20 = arith.constant 0 : i32
    %dma_start3A_21 = tpu.memref_slice %arg2[%mul3A_2, %dma_start3A_20] : memref<416x100000xf32, #tpu.memory_space<hbm>> -> memref<1x49920xf32, #tpu.memory_space<hbm>>
    %dma_start3A_22 = tpu.memref_squeeze %dma_start3A_21 : memref<1x49920xf32, #tpu.memory_space<hbm>> -> memref<49920xf32, #tpu.memory_space<hbm>>
    %dma_start3A_23 = arith.constant 0 : i32
    %dma_start3A_24 = tpu.memref_slice %arg6[%dma_start3A_23] : memref<100000xf32, #tpu.memory_space<vmem>> -> memref<49920xf32, #tpu.memory_space<vmem>>
    %dma_start3A_25 = arith.constant 0 : i32
    %dma_start3A_26 = tpu.memref_slice %arg2[%mul3A_2, %dma_start3A_25] : memref<416x100000xf32, #tpu.memory_space<hbm>> -> memref<1x49920xf32, #tpu.memory_space<hbm>>
    %dma_start3A_27 = tpu.memref_squeeze %dma_start3A_26 : memref<1x49920xf32, #tpu.memory_space<hbm>> -> memref<49920xf32, #tpu.memory_space<hbm>>
    tpu.enqueue_dma source(%dma_start3A_27 : memref<49920xf32, #tpu.memory_space<hbm>>) target(%dma_start3A_24 : memref<49920xf32, #tpu.memory_space<vmem>>) target_semaphore(%arg12 : memref<!tpu.dma_semaphore, #tpu.memory_space<semaphore_mem>>)
    %dma_start3A_28 = arith.constant 49920 : i32
    %dma_start3A_29 = tpu.memref_slice %arg6[%dma_start3A_28] : memref<100000xf32, #tpu.memory_space<vmem>> -> memref<50048xf32, #tpu.memory_space<vmem>>
    %dma_start3A_30 = arith.constant 49920 : i32
    %dma_start3A_31 = tpu.memref_slice %arg2[%mul3A_2, %dma_start3A_30] : memref<416x100000xf32, #tpu.memory_space<hbm>> -> memref<1x50048xf32, #tpu.memory_space<hbm>>
    %dma_start3A_32 = tpu.memref_squeeze %dma_start3A_31 : memref<1x50048xf32, #tpu.memory_space<hbm>> -> memref<50048xf32, #tpu.memory_space<hbm>>
    %dma_start3A_33 = arith.constant 49920 : i32
    %dma_start3A_34 = tpu.memref_slice %arg6[%dma_start3A_33] : memref<100000xf32, #tpu.memory_space<vmem>> -> memref<50048xf32, #tpu.memory_space<vmem>>
    %dma_start3A_35 = arith.constant 49920 : i32
    %dma_start3A_36 = tpu.memref_slice %arg2[%mul3A_2, %dma_start3A_35] : memref<416x100000xf32, #tpu.memory_space<hbm>> -> memref<1x50048xf32, #tpu.memory_space<hbm>>
    %dma_start3A_37 = tpu.memref_squeeze %dma_start3A_36 : memref<1x50048xf32, #tpu.memory_space<hbm>> -> memref<50048xf32, #tpu.memory_space<hbm>>
    tpu.enqueue_dma source(%dma_start3A_37 : memref<50048xf32, #tpu.memory_space<hbm>>) target(%dma_start3A_34 : memref<50048xf32, #tpu.memory_space<vmem>>) target_semaphore(%arg12 : memref<!tpu.dma_semaphore, #tpu.memory_space<semaphore_mem>>)
    %jit3A_38 = arith.constant 8 : i32
    %div3A_39 = arith.divsi %mul3A_2, %jit3A_38 : i32
    %sign3A_40 = arith.constant 0 : i32
    %sign3A_41 = arith.cmpi sgt, %mul3A_2, %sign3A_40 : i32
    %sign3A_42 = arith.extui %sign3A_41 : i1 to i32
    %sign3A_43 = arith.constant 0 : i32
    %sign3A_44 = arith.cmpi slt, %mul3A_2, %sign3A_43 : i32
    %sign3A_45 = arith.extui %sign3A_44 : i1 to i32
    %sign3A_46 = arith.subi %sign3A_42, %sign3A_45 : i32
    %sign3A_47 = arith.constant 0 : i32
    %sign3A_48 = arith.cmpi sgt, %jit3A_38, %sign3A_47 : i32
    %sign3A_49 = arith.extui %sign3A_48 : i1 to i32
    %sign3A_50 = arith.constant 0 : i32
    %sign3A_51 = arith.cmpi slt, %jit3A_38, %sign3A_50 : i32
    %sign3A_52 = arith.extui %sign3A_51 : i1 to i32
    %sign3A_53 = arith.subi %sign3A_49, %sign3A_52 : i32
    %ne3A_54 = arith.cmpi ne, %sign3A_46, %sign3A_53 : i32
    %rem3A_55 = arith.remsi %mul3A_2, %jit3A_38 : i32
    %ne3A_56 = arith.constant 0 : i32
    %ne3A_57 = arith.cmpi ne, %rem3A_55, %ne3A_56 : i32
    %and3A_58 = arith.andi %ne3A_54, %ne3A_57 : i1
    %sub3A_59 = arith.constant 1 : i32
    %sub3A_60 = arith.subi %div3A_39, %sub3A_59 : i32
    %select_n3A_61 = arith.select %and3A_58, %sub3A_60, %div3A_39 : i32
    %mul3A_62 = arith.constant 8 : i32
    %mul3A_63 = arith.muli %select_n3A_61, %mul3A_62 : i32
    %min3A = arith.constant 392 : i32
    %min3A_64 = arith.minsi %mul3A_63, %min3A : i32
    %sub3A_65 = arith.subi %mul3A_2, %min3A_64 : i32
    %dma_start3A_66 = arith.constant 0 : i32
    %dma_start3A_67 = tpu.memref_slice %arg3[%min3A_64, %dma_start3A_66] : memref<416x128xf32, #tpu.memory_space<hbm>> -> memref<24x128xf32, #tpu.memory_space<hbm>>
    %dma_start3A_68 = arith.constant 0 : i32
    %dma_start3A_69 = tpu.memref_slice %arg3[%min3A_64, %dma_start3A_68] : memref<416x128xf32, #tpu.memory_space<hbm>> -> memref<24x128xf32, #tpu.memory_space<hbm>>
    tpu.enqueue_dma source(%dma_start3A_69 : memref<24x128xf32, #tpu.memory_space<hbm>>) target(%arg7 : memref<24x128xf32, #tpu.memory_space<vmem>>) target_semaphore(%arg13 : memref<!tpu.dma_semaphore, #tpu.memory_space<semaphore_mem>>)
    %dma_start3A_70 = arith.constant 0 : i32
    %dma_start3A_71 = tpu.memref_slice %arg4[%select_n3A, %dma_start3A_70] : memref<26x16384xi32, #tpu.memory_space<hbm>> -> memref<1x4096xi32, #tpu.memory_space<hbm>>
    %dma_start3A_72 = tpu.memref_squeeze %dma_start3A_71 : memref<1x4096xi32, #tpu.memory_space<hbm>> -> memref<4096xi32, #tpu.memory_space<hbm>>
    %dma_start3A_73 = arith.constant 0 : i32
    %dma_start3A_74 = tpu.memref_slice %arg4[%select_n3A, %dma_start3A_73] : memref<26x16384xi32, #tpu.memory_space<hbm>> -> memref<1x4096xi32, #tpu.memory_space<hbm>>
    %dma_start3A_75 = tpu.memref_squeeze %dma_start3A_74 : memref<1x4096xi32, #tpu.memory_space<hbm>> -> memref<4096xi32, #tpu.memory_space<hbm>>
    tpu.enqueue_dma source(%dma_start3A_75 : memref<4096xi32, #tpu.memory_space<hbm>>) target(%arg8 : memref<4096xi32, #tpu.memory_space<vmem>>) target_semaphore(%arg14 : memref<!tpu.dma_semaphore, #tpu.memory_space<semaphore_mem>>)
    %dma_start3A_76 = arith.constant 0 : i32
    %dma_start3A_77 = tpu.memref_slice %arg2[%mul3A_2, %dma_start3A_76] : memref<416x100000xf32, #tpu.memory_space<hbm>> -> memref<1x4096xf32, #tpu.memory_space<hbm>>
    %dma_start3A_78 = tpu.memref_squeeze %dma_start3A_77 : memref<1x4096xf32, #tpu.memory_space<hbm>> -> memref<4096xf32, #tpu.memory_space<hbm>>
    %dma_start3A_79 = arith.constant 0 : i32
    %dma_start3A_80 = tpu.memref_slice %arg2[%mul3A_2, %dma_start3A_79] : memref<416x100000xf32, #tpu.memory_space<hbm>> -> memref<1x4096xf32, #tpu.memory_space<hbm>>
    %dma_start3A_81 = tpu.memref_squeeze %dma_start3A_80 : memref<1x4096xf32, #tpu.memory_space<hbm>> -> memref<4096xf32, #tpu.memory_space<hbm>>
    tpu.enqueue_dma source(%dma_start3A_81 : memref<4096xf32, #tpu.memory_space<hbm>>) target(%arg10 : memref<4096xf32, #tpu.memory_space<vmem>>) target_semaphore(%arg15 : memref<!tpu.dma_semaphore, #tpu.memory_space<semaphore_mem>>)
    %dma_start3A_82 = arith.constant 0 : i32
    %dma_start3A_83 = tpu.memref_slice %arg2[%mul3A_2, %dma_start3A_82] : memref<416x100000xf32, #tpu.memory_space<hbm>> -> memref<1x4096xf32, #tpu.memory_space<hbm>>
    %dma_start3A_84 = tpu.memref_squeeze %dma_start3A_83 : memref<1x4096xf32, #tpu.memory_space<hbm>> -> memref<4096xf32, #tpu.memory_space<hbm>>
    %dma_start3A_85 = arith.constant 0 : i32
    %dma_start3A_86 = tpu.memref_slice %arg2[%mul3A_2, %dma_start3A_85] : memref<416x100000xf32, #tpu.memory_space<hbm>> -> memref<1x4096xf32, #tpu.memory_space<hbm>>
    %dma_start3A_87 = tpu.memref_squeeze %dma_start3A_86 : memref<1x4096xf32, #tpu.memory_space<hbm>> -> memref<4096xf32, #tpu.memory_space<hbm>>
    tpu.enqueue_dma source(%dma_start3A_87 : memref<4096xf32, #tpu.memory_space<hbm>>) target(%arg11 : memref<4096xf32, #tpu.memory_space<vmem>>) target_semaphore(%arg16 : memref<!tpu.dma_semaphore, #tpu.memory_space<semaphore_mem>>)
    %dma_wait3A = arith.constant 0 : i32
    %dma_wait3A_88 = tpu.memref_slice %arg3[%min3A_64, %dma_wait3A] : memref<416x128xf32, #tpu.memory_space<hbm>> -> memref<24x128xf32, #tpu.memory_space<hbm>>
    %dma_wait3A_89 = arith.constant 0 : i32
    %dma_wait3A_90 = tpu.memref_slice %arg3[%min3A_64, %dma_wait3A_89] : memref<416x128xf32, #tpu.memory_space<hbm>> -> memref<24x128xf32, #tpu.memory_space<hbm>>
    tpu.wait_dma2 semaphore(%arg13 : memref<!tpu.dma_semaphore, #tpu.memory_space<semaphore_mem>>) src(%dma_wait3A_90 : memref<24x128xf32, #tpu.memory_space<hbm>>) dst(%arg7 : memref<24x128xf32, #tpu.memory_space<vmem>>)
    %scan3A = arith.constant 0 : i32
    %scan3A_91 = arith.constant 0 : i32
    %scan3A_92 = arith.constant 13 : i32
    %scan3A_93 = arith.addi %scan3A_91, %scan3A_92 : i32
    %scan3A_94 = arith.constant 1 : i32
    scf.for %scan3A_112 = %scan3A_91 to %scan3A_93 step %scan3A_94  : i32 {
      %add3A_113 = arith.addi %mul3A_2, %scan3A_112 : i32
      %jit3A_114 = arith.constant 16 : i32
      %div3A_115 = arith.divsi %add3A_113, %jit3A_114 : i32
      %sign3A_116 = arith.constant 0 : i32
      %sign3A_117 = arith.cmpi sgt, %add3A_113, %sign3A_116 : i32
      %sign3A_118 = arith.extui %sign3A_117 : i1 to i32
      %sign3A_119 = arith.constant 0 : i32
      %sign3A_120 = arith.cmpi slt, %add3A_113, %sign3A_119 : i32
      %sign3A_121 = arith.extui %sign3A_120 : i1 to i32
      %sign3A_122 = arith.subi %sign3A_118, %sign3A_121 : i32
      %sign3A_123 = arith.constant 0 : i32
      %sign3A_124 = arith.cmpi sgt, %jit3A_114, %sign3A_123 : i32
      %sign3A_125 = arith.extui %sign3A_124 : i1 to i32
      %sign3A_126 = arith.constant 0 : i32
      %sign3A_127 = arith.cmpi slt, %jit3A_114, %sign3A_126 : i32
      %sign3A_128 = arith.extui %sign3A_127 : i1 to i32
      %sign3A_129 = arith.subi %sign3A_125, %sign3A_128 : i32
      %ne3A_130 = arith.cmpi ne, %sign3A_122, %sign3A_129 : i32
      %rem3A_131 = arith.remsi %add3A_113, %jit3A_114 : i32
      %ne3A_132 = arith.constant 0 : i32
      %ne3A_133 = arith.cmpi ne, %rem3A_131, %ne3A_132 : i32
      %and3A_134 = arith.andi %ne3A_130, %ne3A_133 : i1
      %sub3A_135 = arith.constant 1 : i32
      %sub3A_136 = arith.subi %div3A_115, %sub3A_135 : i32
      %select_n3A_137 = arith.select %and3A_134, %sub3A_136, %div3A_115 : i32
      %add3A_138 = arith.constant 1 : i32
      %add3A_139 = arith.addi %add3A_113, %add3A_138 : i32
      %min3A_140 = arith.constant 415 : i32
      %min3A_141 = arith.minsi %add3A_139, %min3A_140 : i32
      %jit3A_142 = arith.constant 16 : i32
      %div3A_143 = arith.divsi %min3A_141, %jit3A_142 : i32
      %sign3A_144 = arith.constant 0 : i32
      %sign3A_145 = arith.cmpi sgt, %min3A_141, %sign3A_144 : i32
      %sign3A_146 = arith.extui %sign3A_145 : i1 to i32
      %sign3A_147 = arith.constant 0 : i32
      %sign3A_148 = arith.cmpi slt, %min3A_141, %sign3A_147 : i32
      %sign3A_149 = arith.extui %sign3A_148 : i1 to i32
      %sign3A_150 = arith.subi %sign3A_146, %sign3A_149 : i32
      %sign3A_151 = arith.constant 0 : i32
      %sign3A_152 = arith.cmpi sgt, %jit3A_142, %sign3A_151 : i32
      %sign3A_153 = arith.extui %sign3A_152 : i1 to i32
      %sign3A_154 = arith.constant 0 : i32
      %sign3A_155 = arith.cmpi slt, %jit3A_142, %sign3A_154 : i32
      %sign3A_156 = arith.extui %sign3A_155 : i1 to i32
      %sign3A_157 = arith.subi %sign3A_153, %sign3A_156 : i32
      %ne3A_158 = arith.cmpi ne, %sign3A_150, %sign3A_157 : i32
      %rem3A_159 = arith.remsi %min3A_141, %jit3A_142 : i32
      %ne3A_160 = arith.constant 0 : i32
      %ne3A_161 = arith.cmpi ne, %rem3A_159, %ne3A_160 : i32
      %and3A_162 = arith.andi %ne3A_158, %ne3A_161 : i1
      %sub3A_163 = arith.constant 1 : i32
      %sub3A_164 = arith.subi %div3A_143, %sub3A_163 : i32
      %select_n3A_165 = arith.select %and3A_162, %sub3A_164, %div3A_143 : i32
      %lt3A = arith.constant 12 : i32
      %lt3A_166 = arith.cmpi slt, %scan3A_112, %lt3A : i32
      %dma_wait3A_167 = arith.constant 0 : i32
      %dma_wait3A_168 = tpu.memref_slice %arg6[%dma_wait3A_167] : memref<100000xf32, #tpu.memory_space<vmem>> -> memref<49920xf32, #tpu.memory_space<vmem>>
      %dma_wait3A_169 = arith.constant 0 : i32
      %dma_wait3A_170 = tpu.memref_slice %arg2[%add3A_113, %dma_wait3A_169] : memref<416x100000xf32, #tpu.memory_space<hbm>> -> memref<1x49920xf32, #tpu.memory_space<hbm>>
      %dma_wait3A_171 = tpu.memref_squeeze %dma_wait3A_170 : memref<1x49920xf32, #tpu.memory_space<hbm>> -> memref<49920xf32, #tpu.memory_space<hbm>>
      %dma_wait3A_172 = arith.constant 0 : i32
      %dma_wait3A_173 = tpu.memref_slice %arg6[%dma_wait3A_172] : memref<100000xf32, #tpu.memory_space<vmem>> -> memref<49920xf32, #tpu.memory_space<vmem>>
      %dma_wait3A_174 = arith.constant 0 : i32
      %dma_wait3A_175 = tpu.memref_slice %arg2[%add3A_113, %dma_wait3A_174] : memref<416x100000xf32, #tpu.memory_space<hbm>> -> memref<1x49920xf32, #tpu.memory_space<hbm>>
      %dma_wait3A_176 = tpu.memref_squeeze %dma_wait3A_175 : memref<1x49920xf32, #tpu.memory_space<hbm>> -> memref<49920xf32, #tpu.memory_space<hbm>>
      tpu.wait_dma2 semaphore(%arg12 : memref<!tpu.dma_semaphore, #tpu.memory_space<semaphore_mem>>) src(%dma_wait3A_176 : memref<49920xf32, #tpu.memory_space<hbm>>) dst(%dma_wait3A_173 : memref<49920xf32, #tpu.memory_space<vmem>>)
      %dma_wait3A_177 = arith.constant 49920 : i32
      %dma_wait3A_178 = tpu.memref_slice %arg6[%dma_wait3A_177] : memref<100000xf32, #tpu.memory_space<vmem>> -> memref<50048xf32, #tpu.memory_space<vmem>>
      %dma_wait3A_179 = arith.constant 49920 : i32
      %dma_wait3A_180 = tpu.memref_slice %arg2[%add3A_113, %dma_wait3A_179] : memref<416x100000xf32, #tpu.memory_space<hbm>> -> memref<1x50048xf32, #tpu.memory_space<hbm>>
      %dma_wait3A_181 = tpu.memref_squeeze %dma_wait3A_180 : memref<1x50048xf32, #tpu.memory_space<hbm>> -> memref<50048xf32, #tpu.memory_space<hbm>>
      %dma_wait3A_182 = arith.constant 49920 : i32
      %dma_wait3A_183 = tpu.memref_slice %arg6[%dma_wait3A_182] : memref<100000xf32, #tpu.memory_space<vmem>> -> memref<50048xf32, #tpu.memory_space<vmem>>
      %dma_wait3A_184 = arith.constant 49920 : i32
      %dma_wait3A_185 = tpu.memref_slice %arg2[%add3A_113, %dma_wait3A_184] : memref<416x100000xf32, #tpu.memory_space<hbm>> -> memref<1x50048xf32, #tpu.memory_space<hbm>>
      %dma_wait3A_186 = tpu.memref_squeeze %dma_wait3A_185 : memref<1x50048xf32, #tpu.memory_space<hbm>> -> memref<50048xf32, #tpu.memory_space<hbm>>
      tpu.wait_dma2 semaphore(%arg12 : memref<!tpu.dma_semaphore, #tpu.memory_space<semaphore_mem>>) src(%dma_wait3A_186 : memref<50048xf32, #tpu.memory_space<hbm>>) dst(%dma_wait3A_183 : memref<50048xf32, #tpu.memory_space<vmem>>)
      %add3A_187 = arith.addi %sub3A_65, %scan3A_112 : i32
      %get3A = arith.index_cast %add3A_187 : i32 to index
      %get3A_188 = arith.constant 96 : index
      %get3A_189 = tpu.vector_load %arg7[%get3A, %get3A_188] {strides = array<i32>} : memref<24x128xf32, #tpu.memory_space<vmem>>, vector<16xf32>,
      %swap3A = arith.constant 99968 : index
      %swap3A_190 = tpu.vector_load %arg6[%swap3A] {strides = array<i32>} : memref<100000xf32, #tpu.memory_space<vmem>>, vector<16xf32>,
      tpu.vector_store %arg6[%swap3A], %get3A_189 {strides = array<i32>} : memref<100000xf32, #tpu.memory_space<vmem>>, vector<16xf32>,
      %add3A_191 = arith.addi %sub3A_65, %scan3A_112 : i32
      %get3A_192 = arith.index_cast %add3A_191 : i32 to index
      %get3A_193 = arith.constant 112 : index
      %get3A_194 = tpu.vector_load %arg7[%get3A_192, %get3A_193] {strides = array<i32>} : memref<24x128xf32, #tpu.memory_space<vmem>>, vector<16xf32>,
      %swap3A_195 = arith.constant 99984 : index
      %swap3A_196 = tpu.vector_load %arg6[%swap3A_195] {strides = array<i32>} : memref<100000xf32, #tpu.memory_space<vmem>>, vector<16xf32>,
      tpu.vector_store %arg6[%swap3A_195], %get3A_194 {strides = array<i32>} : memref<100000xf32, #tpu.memory_space<vmem>>, vector<16xf32>,
      %dma_wait3A_197 = arith.constant 0 : i32
      %dma_wait3A_198 = tpu.memref_slice %arg4[%select_n3A_137, %dma_wait3A_197] : memref<26x16384xi32, #tpu.memory_space<hbm>> -> memref<1x4096xi32, #tpu.memory_space<hbm>>
      %dma_wait3A_199 = tpu.memref_squeeze %dma_wait3A_198 : memref<1x4096xi32, #tpu.memory_space<hbm>> -> memref<4096xi32, #tpu.memory_space<hbm>>
      %dma_wait3A_200 = arith.constant 0 : i32
      %dma_wait3A_201 = tpu.memref_slice %arg4[%select_n3A_137, %dma_wait3A_200] : memref<26x16384xi32, #tpu.memory_space<hbm>> -> memref<1x4096xi32, #tpu.memory_space<hbm>>
      %dma_wait3A_202 = tpu.memref_squeeze %dma_wait3A_201 : memref<1x4096xi32, #tpu.memory_space<hbm>> -> memref<4096xi32, #tpu.memory_space<hbm>>
      tpu.wait_dma2 semaphore(%arg14 : memref<!tpu.dma_semaphore, #tpu.memory_space<semaphore_mem>>) src(%dma_wait3A_202 : memref<4096xi32, #tpu.memory_space<hbm>>) dst(%arg8 : memref<4096xi32, #tpu.memory_space<vmem>>)
      %dma_start3A_203 = arith.constant 4096 : i32
      %dma_start3A_204 = tpu.memref_slice %arg4[%select_n3A_137, %dma_start3A_203] : memref<26x16384xi32, #tpu.memory_space<hbm>> -> memref<1x4096xi32, #tpu.memory_space<hbm>>
      %dma_start3A_205 = tpu.memref_squeeze %dma_start3A_204 : memref<1x4096xi32, #tpu.memory_space<hbm>> -> memref<4096xi32, #tpu.memory_space<hbm>>
      %dma_start3A_206 = arith.constant 4096 : i32
      %dma_start3A_207 = tpu.memref_slice %arg4[%select_n3A_137, %dma_start3A_206] : memref<26x16384xi32, #tpu.memory_space<hbm>> -> memref<1x4096xi32, #tpu.memory_space<hbm>>
      %dma_start3A_208 = tpu.memref_squeeze %dma_start3A_207 : memref<1x4096xi32, #tpu.memory_space<hbm>> -> memref<4096xi32, #tpu.memory_space<hbm>>
      tpu.enqueue_dma source(%dma_start3A_208 : memref<4096xi32, #tpu.memory_space<hbm>>) target(%arg9 : memref<4096xi32, #tpu.memory_space<vmem>>) target_semaphore(%arg14 : memref<!tpu.dma_semaphore, #tpu.memory_space<semaphore_mem>>)
      %dma_wait3A_209 = arith.constant 0 : i32
      %dma_wait3A_210 = tpu.memref_slice %arg5[%add3A_113, %dma_wait3A_209] : memref<416x16384xf32, #tpu.memory_space<hbm>> -> memref<1x4096xf32, #tpu.memory_space<hbm>>
      %dma_wait3A_211 = tpu.memref_squeeze %dma_wait3A_210 : memref<1x4096xf32, #tpu.memory_space<hbm>> -> memref<4096xf32, #tpu.memory_space<hbm>>
      %dma_wait3A_212 = arith.constant 0 : i32
      %dma_wait3A_213 = tpu.memref_slice %arg5[%add3A_113, %dma_wait3A_212] : memref<416x16384xf32, #tpu.memory_space<hbm>> -> memref<1x4096xf32, #tpu.memory_space<hbm>>
      %dma_wait3A_214 = tpu.memref_squeeze %dma_wait3A_213 : memref<1x4096xf32, #tpu.memory_space<hbm>> -> memref<4096xf32, #tpu.memory_space<hbm>>
      tpu.wait_dma2 semaphore(%arg15 : memref<!tpu.dma_semaphore, #tpu.memory_space<semaphore_mem>>) src(%arg10 : memref<4096xf32, #tpu.memory_space<vmem>>) dst(%dma_wait3A_214 : memref<4096xf32, #tpu.memory_space<hbm>>)
      %parallel_loop3A = arith.constant 0 : i32
      %parallel_loop3A_215 = arith.constant 256 : i32
      %parallel_loop3A_216 = arith.constant 1 : i32
      scf.for %parallel_loop3A_302 = %parallel_loop3A to %parallel_loop3A_215 step %parallel_loop3A_216  : i32 {
        %parallel_loop3A_303 = arith.constant 16 : i32
        %parallel_loop3A_304 = arith.muli %parallel_loop3A_302, %parallel_loop3A_303 : i32
        %parallel_loop3A_305 = arith.index_cast %parallel_loop3A_304 : i32 to index
        %parallel_loop3A_306 = tpu.vector_load %arg8[%parallel_loop3A_305] {strides = array<i32>} : memref<4096xi32, #tpu.memory_space<vmem>>, vector<16xi32>,
        %parallel_loop3A_307 = tpu.vector_load_idx %arg6[%parallel_loop3A_306] : memref<100000xf32, #tpu.memory_space<vmem>>[vector<16xi32>], vector<16xf32>,
        %parallel_loop3A_308 = arith.constant 16 : i32
        %parallel_loop3A_309 = arith.muli %parallel_loop3A_302, %parallel_loop3A_308 : i32
        %parallel_loop3A_310 = arith.index_cast %parallel_loop3A_309 : i32 to index
        %parallel_loop3A_311 = tpu.vector_load %arg10[%parallel_loop3A_310] {strides = array<i32>} : memref<4096xf32, #tpu.memory_space<vmem>>, vector<16xf32>,
        tpu.vector_store %arg10[%parallel_loop3A_310], %parallel_loop3A_307 {strides = array<i32>} : memref<4096xf32, #tpu.memory_space<vmem>>, vector<16xf32>,
      } {sc.loop_unroll_factor = 16 : i64, sc.parallel_access}
      %dma_start3A_217 = arith.constant 0 : i32
      %dma_start3A_218 = tpu.memref_slice %arg5[%add3A_113, %dma_start3A_217] : memref<416x16384xf32, #tpu.memory_space<hbm>> -> memref<1x4096xf32, #tpu.memory_space<hbm>>
      %dma_start3A_219 = tpu.memref_squeeze %dma_start3A_218 : memref<1x4096xf32, #tpu.memory_space<hbm>> -> memref<4096xf32, #tpu.memory_space<hbm>>
      %dma_start3A_220 = arith.constant 0 : i32
      %dma_start3A_221 = tpu.memref_slice %arg5[%add3A_113, %dma_start3A_220] : memref<416x16384xf32, #tpu.memory_space<hbm>> -> memref<1x4096xf32, #tpu.memory_space<hbm>>
      %dma_start3A_222 = tpu.memref_squeeze %dma_start3A_221 : memref<1x4096xf32, #tpu.memory_space<hbm>> -> memref<4096xf32, #tpu.memory_space<hbm>>
      tpu.enqueue_dma source(%arg10 : memref<4096xf32, #tpu.memory_space<vmem>>) target(%dma_start3A_222 : memref<4096xf32, #tpu.memory_space<hbm>>) target_semaphore(%arg15 : memref<!tpu.dma_semaphore, #tpu.memory_space<semaphore_mem>>)
      %dma_wait3A_223 = arith.constant 0 : i32
      %dma_wait3A_224 = tpu.memref_slice %arg4[%select_n3A_137, %dma_wait3A_223] : memref<26x16384xi32, #tpu.memory_space<hbm>> -> memref<1x4096xi32, #tpu.memory_space<hbm>>
      %dma_wait3A_225 = tpu.memref_squeeze %dma_wait3A_224 : memref<1x4096xi32, #tpu.memory_space<hbm>> -> memref<4096xi32, #tpu.memory_space<hbm>>
      %dma_wait3A_226 = arith.constant 0 : i32
      %dma_wait3A_227 = tpu.memref_slice %arg4[%select_n3A_137, %dma_wait3A_226] : memref<26x16384xi32, #tpu.memory_space<hbm>> -> memref<1x4096xi32, #tpu.memory_space<hbm>>
      %dma_wait3A_228 = tpu.memref_squeeze %dma_wait3A_227 : memref<1x4096xi32, #tpu.memory_space<hbm>> -> memref<4096xi32, #tpu.memory_space<hbm>>
      tpu.wait_dma2 semaphore(%arg14 : memref<!tpu.dma_semaphore, #tpu.memory_space<semaphore_mem>>) src(%dma_wait3A_228 : memref<4096xi32, #tpu.memory_space<hbm>>) dst(%arg9 : memref<4096xi32, #tpu.memory_space<vmem>>)
      %dma_start3A_229 = arith.constant 8192 : i32
      %dma_start3A_230 = tpu.memref_slice %arg4[%select_n3A_137, %dma_start3A_229] : memref<26x16384xi32, #tpu.memory_space<hbm>> -> memref<1x4096xi32, #tpu.memory_space<hbm>>
      %dma_start3A_231 = tpu.memref_squeeze %dma_start3A_230 : memref<1x4096xi32, #tpu.memory_space<hbm>> -> memref<4096xi32, #tpu.memory_space<hbm>>
      %dma_start3A_232 = arith.constant 8192 : i32
      %dma_start3A_233 = tpu.memref_slice %arg4[%select_n3A_137, %dma_start3A_232] : memref<26x16384xi32, #tpu.memory_space<hbm>> -> memref<1x4096xi32, #tpu.memory_space<hbm>>
      %dma_start3A_234 = tpu.memref_squeeze %dma_start3A_233 : memref<1x4096xi32, #tpu.memory_space<hbm>> -> memref<4096xi32, #tpu.memory_space<hbm>>
      tpu.enqueue_dma source(%dma_start3A_234 : memref<4096xi32, #tpu.memory_space<hbm>>) target(%arg8 : memref<4096xi32, #tpu.memory_space<vmem>>) target_semaphore(%arg14 : memref<!tpu.dma_semaphore, #tpu.memory_space<semaphore_mem>>)
      %dma_wait3A_235 = arith.constant 4096 : i32
      %dma_wait3A_236 = tpu.memref_slice %arg5[%add3A_113, %dma_wait3A_235] : memref<416x16384xf32, #tpu.memory_space<hbm>> -> memref<1x4096xf32, #tpu.memory_space<hbm>>
      %dma_wait3A_237 = tpu.memref_squeeze %dma_wait3A_236 : memref<1x4096xf32, #tpu.memory_space<hbm>> -> memref<4096xf32, #tpu.memory_space<hbm>>
      %dma_wait3A_238 = arith.constant 4096 : i32
      %dma_wait3A_239 = tpu.memref_slice %arg5[%add3A_113, %dma_wait3A_238] : memref<416x16384xf32, #tpu.memory_space<hbm>> -> memref<1x4096xf32, #tpu.memory_space<hbm>>
      %dma_wait3A_240 = tpu.memref_squeeze %dma_wait3A_239 : memref<1x4096xf32, #tpu.memory_space<hbm>> -> memref<4096xf32, #tpu.memory_space<hbm>>
      tpu.wait_dma2 semaphore(%arg16 : memref<!tpu.dma_semaphore, #tpu.memory_space<semaphore_mem>>) src(%arg11 : memref<4096xf32, #tpu.memory_space<vmem>>) dst(%dma_wait3A_240 : memref<4096xf32, #tpu.memory_space<hbm>>)
      %parallel_loop3A_241 = arith.constant 0 : i32
      %parallel_loop3A_242 = arith.constant 256 : i32
      %parallel_loop3A_243 = arith.constant 1 : i32
      scf.for %parallel_loop3A_302 = %parallel_loop3A_241 to %parallel_loop3A_242 step %parallel_loop3A_243  : i32 {
        %parallel_loop3A_303 = arith.constant 16 : i32
        %parallel_loop3A_304 = arith.muli %parallel_loop3A_302, %parallel_loop3A_303 : i32
        %parallel_loop3A_305 = arith.index_cast %parallel_loop3A_304 : i32 to index
        %parallel_loop3A_306 = tpu.vector_load %arg9[%parallel_loop3A_305] {strides = array<i32>} : memref<4096xi32, #tpu.memory_space<vmem>>, vector<16xi32>,
        %parallel_loop3A_307 = tpu.vector_load_idx %arg6[%parallel_loop3A_306] : memref<100000xf32, #tpu.memory_space<vmem>>[vector<16xi32>], vector<16xf32>,
        %parallel_loop3A_308 = arith.constant 16 : i32
        %parallel_loop3A_309 = arith.muli %parallel_loop3A_302, %parallel_loop3A_308 : i32
        %parallel_loop3A_310 = arith.index_cast %parallel_loop3A_309 : i32 to index
        %parallel_loop3A_311 = tpu.vector_load %arg11[%parallel_loop3A_310] {strides = array<i32>} : memref<4096xf32, #tpu.memory_space<vmem>>, vector<16xf32>,
        tpu.vector_store %arg11[%parallel_loop3A_310], %parallel_loop3A_307 {strides = array<i32>} : memref<4096xf32, #tpu.memory_space<vmem>>, vector<16xf32>,
      } {sc.loop_unroll_factor = 16 : i64, sc.parallel_access}
      %dma_start3A_244 = arith.constant 4096 : i32
      %dma_start3A_245 = tpu.memref_slice %arg5[%add3A_113, %dma_start3A_244] : memref<416x16384xf32, #tpu.memory_space<hbm>> -> memref<1x4096xf32, #tpu.memory_space<hbm>>
      %dma_start3A_246 = tpu.memref_squeeze %dma_start3A_245 : memref<1x4096xf32, #tpu.memory_space<hbm>> -> memref<4096xf32, #tpu.memory_space<hbm>>
      %dma_start3A_247 = arith.constant 4096 : i32
      %dma_start3A_248 = tpu.memref_slice %arg5[%add3A_113, %dma_start3A_247] : memref<416x16384xf32, #tpu.memory_space<hbm>> -> memref<1x4096xf32, #tpu.memory_space<hbm>>
      %dma_start3A_249 = tpu.memref_squeeze %dma_start3A_248 : memref<1x4096xf32, #tpu.memory_space<hbm>> -> memref<4096xf32, #tpu.memory_space<hbm>>
      tpu.enqueue_dma source(%arg11 : memref<4096xf32, #tpu.memory_space<vmem>>) target(%dma_start3A_249 : memref<4096xf32, #tpu.memory_space<hbm>>) target_semaphore(%arg16 : memref<!tpu.dma_semaphore, #tpu.memory_space<semaphore_mem>>)
      %dma_wait3A_250 = arith.constant 0 : i32
      %dma_wait3A_251 = tpu.memref_slice %arg4[%select_n3A_137, %dma_wait3A_250] : memref<26x16384xi32, #tpu.memory_space<hbm>> -> memref<1x4096xi32, #tpu.memory_space<hbm>>
      %dma_wait3A_252 = tpu.memref_squeeze %dma_wait3A_251 : memref<1x4096xi32, #tpu.memory_space<hbm>> -> memref<4096xi32, #tpu.memory_space<hbm>>
      %dma_wait3A_253 = arith.constant 0 : i32
      %dma_wait3A_254 = tpu.memref_slice %arg4[%select_n3A_137, %dma_wait3A_253] : memref<26x16384xi32, #tpu.memory_space<hbm>> -> memref<1x4096xi32, #tpu.memory_space<hbm>>
      %dma_wait3A_255 = tpu.memref_squeeze %dma_wait3A_254 : memref<1x4096xi32, #tpu.memory_space<hbm>> -> memref<4096xi32, #tpu.memory_space<hbm>>
      tpu.wait_dma2 semaphore(%arg14 : memref<!tpu.dma_semaphore, #tpu.memory_space<semaphore_mem>>) src(%dma_wait3A_255 : memref<4096xi32, #tpu.memory_space<hbm>>) dst(%arg8 : memref<4096xi32, #tpu.memory_space<vmem>>)
      %dma_start3A_256 = arith.constant 12288 : i32
      %dma_start3A_257 = tpu.memref_slice %arg4[%select_n3A_137, %dma_start3A_256] : memref<26x16384xi32, #tpu.memory_space<hbm>> -> memref<1x4096xi32, #tpu.memory_space<hbm>>
      %dma_start3A_258 = tpu.memref_squeeze %dma_start3A_257 : memref<1x4096xi32, #tpu.memory_space<hbm>> -> memref<4096xi32, #tpu.memory_space<hbm>>
      %dma_start3A_259 = arith.constant 12288 : i32
      %dma_start3A_260 = tpu.memref_slice %arg4[%select_n3A_137, %dma_start3A_259] : memref<26x16384xi32, #tpu.memory_space<hbm>> -> memref<1x4096xi32, #tpu.memory_space<hbm>>
      %dma_start3A_261 = tpu.memref_squeeze %dma_start3A_260 : memref<1x4096xi32, #tpu.memory_space<hbm>> -> memref<4096xi32, #tpu.memory_space<hbm>>
      tpu.enqueue_dma source(%dma_start3A_261 : memref<4096xi32, #tpu.memory_space<hbm>>) target(%arg9 : memref<4096xi32, #tpu.memory_space<vmem>>) target_semaphore(%arg14 : memref<!tpu.dma_semaphore, #tpu.memory_space<semaphore_mem>>)
      %dma_wait3A_262 = arith.constant 8192 : i32
      %dma_wait3A_263 = tpu.memref_slice %arg5[%add3A_113, %dma_wait3A_262] : memref<416x16384xf32, #tpu.memory_space<hbm>> -> memref<1x4096xf32, #tpu.memory_space<hbm>>
      %dma_wait3A_264 = tpu.memref_squeeze %dma_wait3A_263 : memref<1x4096xf32, #tpu.memory_space<hbm>> -> memref<4096xf32, #tpu.memory_space<hbm>>
      %dma_wait3A_265 = arith.constant 8192 : i32
      %dma_wait3A_266 = tpu.memref_slice %arg5[%add3A_113, %dma_wait3A_265] : memref<416x16384xf32, #tpu.memory_space<hbm>> -> memref<1x4096xf32, #tpu.memory_space<hbm>>
      %dma_wait3A_267 = tpu.memref_squeeze %dma_wait3A_266 : memref<1x4096xf32, #tpu.memory_space<hbm>> -> memref<4096xf32, #tpu.memory_space<hbm>>
      tpu.wait_dma2 semaphore(%arg15 : memref<!tpu.dma_semaphore, #tpu.memory_space<semaphore_mem>>) src(%arg10 : memref<4096xf32, #tpu.memory_space<vmem>>) dst(%dma_wait3A_267 : memref<4096xf32, #tpu.memory_space<hbm>>)
      %parallel_loop3A_268 = arith.constant 0 : i32
      %parallel_loop3A_269 = arith.constant 256 : i32
      %parallel_loop3A_270 = arith.constant 1 : i32
      scf.for %parallel_loop3A_302 = %parallel_loop3A_268 to %parallel_loop3A_269 step %parallel_loop3A_270  : i32 {
        %parallel_loop3A_303 = arith.constant 16 : i32
        %parallel_loop3A_304 = arith.muli %parallel_loop3A_302, %parallel_loop3A_303 : i32
        %parallel_loop3A_305 = arith.index_cast %parallel_loop3A_304 : i32 to index
        %parallel_loop3A_306 = tpu.vector_load %arg8[%parallel_loop3A_305] {strides = array<i32>} : memref<4096xi32, #tpu.memory_space<vmem>>, vector<16xi32>,
        %parallel_loop3A_307 = tpu.vector_load_idx %arg6[%parallel_loop3A_306] : memref<100000xf32, #tpu.memory_space<vmem>>[vector<16xi32>], vector<16xf32>,
        %parallel_loop3A_308 = arith.constant 16 : i32
        %parallel_loop3A_309 = arith.muli %parallel_loop3A_302, %parallel_loop3A_308 : i32
        %parallel_loop3A_310 = arith.index_cast %parallel_loop3A_309 : i32 to index
        %parallel_loop3A_311 = tpu.vector_load %arg10[%parallel_loop3A_310] {strides = array<i32>} : memref<4096xf32, #tpu.memory_space<vmem>>, vector<16xf32>,
        tpu.vector_store %arg10[%parallel_loop3A_310], %parallel_loop3A_307 {strides = array<i32>} : memref<4096xf32, #tpu.memory_space<vmem>>, vector<16xf32>,
      } {sc.loop_unroll_factor = 16 : i64, sc.parallel_access}
      %dma_start3A_271 = arith.constant 8192 : i32
      %dma_start3A_272 = tpu.memref_slice %arg5[%add3A_113, %dma_start3A_271] : memref<416x16384xf32, #tpu.memory_space<hbm>> -> memref<1x4096xf32, #tpu.memory_space<hbm>>
      %dma_start3A_273 = tpu.memref_squeeze %dma_start3A_272 : memref<1x4096xf32, #tpu.memory_space<hbm>> -> memref<4096xf32, #tpu.memory_space<hbm>>
      %dma_start3A_274 = arith.constant 8192 : i32
      %dma_start3A_275 = tpu.memref_slice %arg5[%add3A_113, %dma_start3A_274] : memref<416x16384xf32, #tpu.memory_space<hbm>> -> memref<1x4096xf32, #tpu.memory_space<hbm>>
      %dma_start3A_276 = tpu.memref_squeeze %dma_start3A_275 : memref<1x4096xf32, #tpu.memory_space<hbm>> -> memref<4096xf32, #tpu.memory_space<hbm>>
      tpu.enqueue_dma source(%arg10 : memref<4096xf32, #tpu.memory_space<vmem>>) target(%dma_start3A_276 : memref<4096xf32, #tpu.memory_space<hbm>>) target_semaphore(%arg15 : memref<!tpu.dma_semaphore, #tpu.memory_space<semaphore_mem>>)
      %dma_wait3A_277 = arith.constant 0 : i32
      %dma_wait3A_278 = tpu.memref_slice %arg4[%select_n3A_137, %dma_wait3A_277] : memref<26x16384xi32, #tpu.memory_space<hbm>> -> memref<1x4096xi32, #tpu.memory_space<hbm>>
      %dma_wait3A_279 = tpu.memref_squeeze %dma_wait3A_278 : memref<1x4096xi32, #tpu.memory_space<hbm>> -> memref<4096xi32, #tpu.memory_space<hbm>>
      %dma_wait3A_280 = arith.constant 0 : i32
      %dma_wait3A_281 = tpu.memref_slice %arg4[%select_n3A_137, %dma_wait3A_280] : memref<26x16384xi32, #tpu.memory_space<hbm>> -> memref<1x4096xi32, #tpu.memory_space<hbm>>
      %dma_wait3A_282 = tpu.memref_squeeze %dma_wait3A_281 : memref<1x4096xi32, #tpu.memory_space<hbm>> -> memref<4096xi32, #tpu.memory_space<hbm>>
      tpu.wait_dma2 semaphore(%arg14 : memref<!tpu.dma_semaphore, #tpu.memory_space<semaphore_mem>>) src(%dma_wait3A_282 : memref<4096xi32, #tpu.memory_space<hbm>>) dst(%arg9 : memref<4096xi32, #tpu.memory_space<vmem>>)
      %convert_element_type3A = arith.extui %lt3A_166 : i1 to i32
      %cond3A = arith.constant 0 : i32
      %cond3A_283 = arith.cmpi ne, %convert_element_type3A, %cond3A : i32
      scf.if %cond3A_283 {
        %dma_start3A_302 = arith.constant 0 : i32
        %dma_start3A_303 = tpu.memref_slice %arg4[%select_n3A_165, %dma_start3A_302] : memref<26x16384xi32, #tpu.memory_space<hbm>> -> memref<1x4096xi32, #tpu.memory_space<hbm>>
        %dma_start3A_304 = tpu.memref_squeeze %dma_start3A_303 : memref<1x4096xi32, #tpu.memory_space<hbm>> -> memref<4096xi32, #tpu.memory_space<hbm>>
        %dma_start3A_305 = arith.constant 0 : i32
        %dma_start3A_306 = tpu.memref_slice %arg4[%select_n3A_165, %dma_start3A_305] : memref<26x16384xi32, #tpu.memory_space<hbm>> -> memref<1x4096xi32, #tpu.memory_space<hbm>>
        %dma_start3A_307 = tpu.memref_squeeze %dma_start3A_306 : memref<1x4096xi32, #tpu.memory_space<hbm>> -> memref<4096xi32, #tpu.memory_space<hbm>>
        tpu.enqueue_dma source(%dma_start3A_307 : memref<4096xi32, #tpu.memory_space<hbm>>) target(%arg8 : memref<4096xi32, #tpu.memory_space<vmem>>) target_semaphore(%arg14 : memref<!tpu.dma_semaphore, #tpu.memory_space<semaphore_mem>>)
      } else {
      }
      %dma_wait3A_284 = arith.constant 12288 : i32
      %dma_wait3A_285 = tpu.memref_slice %arg5[%add3A_113, %dma_wait3A_284] : memref<416x16384xf32, #tpu.memory_space<hbm>> -> memref<1x4096xf32, #tpu.memory_space<hbm>>
      %dma_wait3A_286 = tpu.memref_squeeze %dma_wait3A_285 : memref<1x4096xf32, #tpu.memory_space<hbm>> -> memref<4096xf32, #tpu.memory_space<hbm>>
      %dma_wait3A_287 = arith.constant 12288 : i32
      %dma_wait3A_288 = tpu.memref_slice %arg5[%add3A_113, %dma_wait3A_287] : memref<416x16384xf32, #tpu.memory_space<hbm>> -> memref<1x4096xf32, #tpu.memory_space<hbm>>
      %dma_wait3A_289 = tpu.memref_squeeze %dma_wait3A_288 : memref<1x4096xf32, #tpu.memory_space<hbm>> -> memref<4096xf32, #tpu.memory_space<hbm>>
      tpu.wait_dma2 semaphore(%arg16 : memref<!tpu.dma_semaphore, #tpu.memory_space<semaphore_mem>>) src(%arg11 : memref<4096xf32, #tpu.memory_space<vmem>>) dst(%dma_wait3A_289 : memref<4096xf32, #tpu.memory_space<hbm>>)
      %parallel_loop3A_290 = arith.constant 0 : i32
      %parallel_loop3A_291 = arith.constant 256 : i32
      %parallel_loop3A_292 = arith.constant 1 : i32
      scf.for %parallel_loop3A_302 = %parallel_loop3A_290 to %parallel_loop3A_291 step %parallel_loop3A_292  : i32 {
        %parallel_loop3A_303 = arith.constant 16 : i32
        %parallel_loop3A_304 = arith.muli %parallel_loop3A_302, %parallel_loop3A_303 : i32
        %parallel_loop3A_305 = arith.index_cast %parallel_loop3A_304 : i32 to index
        %parallel_loop3A_306 = tpu.vector_load %arg9[%parallel_loop3A_305] {strides = array<i32>} : memref<4096xi32, #tpu.memory_space<vmem>>, vector<16xi32>,
        %parallel_loop3A_307 = tpu.vector_load_idx %arg6[%parallel_loop3A_306] : memref<100000xf32, #tpu.memory_space<vmem>>[vector<16xi32>], vector<16xf32>,
        %parallel_loop3A_308 = arith.constant 16 : i32
        %parallel_loop3A_309 = arith.muli %parallel_loop3A_302, %parallel_loop3A_308 : i32
        %parallel_loop3A_310 = arith.index_cast %parallel_loop3A_309 : i32 to index
        %parallel_loop3A_311 = tpu.vector_load %arg11[%parallel_loop3A_310] {strides = array<i32>} : memref<4096xf32, #tpu.memory_space<vmem>>, vector<16xf32>,
        tpu.vector_store %arg11[%parallel_loop3A_310], %parallel_loop3A_307 {strides = array<i32>} : memref<4096xf32, #tpu.memory_space<vmem>>, vector<16xf32>,
      } {sc.loop_unroll_factor = 16 : i64, sc.parallel_access}
      %dma_start3A_293 = arith.constant 12288 : i32
      %dma_start3A_294 = tpu.memref_slice %arg5[%add3A_113, %dma_start3A_293] : memref<416x16384xf32, #tpu.memory_space<hbm>> -> memref<1x4096xf32, #tpu.memory_space<hbm>>
      %dma_start3A_295 = tpu.memref_squeeze %dma_start3A_294 : memref<1x4096xf32, #tpu.memory_space<hbm>> -> memref<4096xf32, #tpu.memory_space<hbm>>
      %dma_start3A_296 = arith.constant 12288 : i32
      %dma_start3A_297 = tpu.memref_slice %arg5[%add3A_113, %dma_start3A_296] : memref<416x16384xf32, #tpu.memory_space<hbm>> -> memref<1x4096xf32, #tpu.memory_space<hbm>>
      %dma_start3A_298 = tpu.memref_squeeze %dma_start3A_297 : memref<1x4096xf32, #tpu.memory_space<hbm>> -> memref<4096xf32, #tpu.memory_space<hbm>>
      tpu.enqueue_dma source(%arg11 : memref<4096xf32, #tpu.memory_space<vmem>>) target(%dma_start3A_298 : memref<4096xf32, #tpu.memory_space<hbm>>) target_semaphore(%arg16 : memref<!tpu.dma_semaphore, #tpu.memory_space<semaphore_mem>>)
      %convert_element_type3A_299 = arith.extui %lt3A_166 : i1 to i32
      %cond3A_300 = arith.constant 0 : i32
      %cond3A_301 = arith.cmpi ne, %convert_element_type3A_299, %cond3A_300 : i32
      scf.if %cond3A_301 {
        %dma_start3A_302 = arith.constant 0 : i32
        %dma_start3A_303 = tpu.memref_slice %arg6[%dma_start3A_302] : memref<100000xf32, #tpu.memory_space<vmem>> -> memref<49920xf32, #tpu.memory_space<vmem>>
        %dma_start3A_304 = arith.constant 0 : i32
        %dma_start3A_305 = tpu.memref_slice %arg2[%min3A_141, %dma_start3A_304] : memref<416x100000xf32, #tpu.memory_space<hbm>> -> memref<1x49920xf32, #tpu.memory_space<hbm>>
        %dma_start3A_306 = tpu.memref_squeeze %dma_start3A_305 : memref<1x49920xf32, #tpu.memory_space<hbm>> -> memref<49920xf32, #tpu.memory_space<hbm>>
        %dma_start3A_307 = arith.constant 0 : i32
        %dma_start3A_308 = tpu.memref_slice %arg6[%dma_start3A_307] : memref<100000xf32, #tpu.memory_space<vmem>> -> memref<49920xf32, #tpu.memory_space<vmem>>
        %dma_start3A_309 = arith.constant 0 : i32
        %dma_start3A_310 = tpu.memref_slice %arg2[%min3A_141, %dma_start3A_309] : memref<416x100000xf32, #tpu.memory_space<hbm>> -> memref<1x49920xf32, #tpu.memory_space<hbm>>
        %dma_start3A_311 = tpu.memref_squeeze %dma_start3A_310 : memref<1x49920xf32, #tpu.memory_space<hbm>> -> memref<49920xf32, #tpu.memory_space<hbm>>
        tpu.enqueue_dma source(%dma_start3A_311 : memref<49920xf32, #tpu.memory_space<hbm>>) target(%dma_start3A_308 : memref<49920xf32, #tpu.memory_space<vmem>>) target_semaphore(%arg12 : memref<!tpu.dma_semaphore, #tpu.memory_space<semaphore_mem>>)
        %dma_start3A_312 = arith.constant 49920 : i32
        %dma_start3A_313 = tpu.memref_slice %arg6[%dma_start3A_312] : memref<100000xf32, #tpu.memory_space<vmem>> -> memref<50048xf32, #tpu.memory_space<vmem>>
        %dma_start3A_314 = arith.constant 49920 : i32
        %dma_start3A_315 = tpu.memref_slice %arg2[%min3A_141, %dma_start3A_314] : memref<416x100000xf32, #tpu.memory_space<hbm>> -> memref<1x50048xf32, #tpu.memory_space<hbm>>
        %dma_start3A_316 = tpu.memref_squeeze %dma_start3A_315 : memref<1x50048xf32, #tpu.memory_space<hbm>> -> memref<50048xf32, #tpu.memory_space<hbm>>
        %dma_start3A_317 = arith.constant 49920 : i32
        %dma_start3A_318 = tpu.memref_slice %arg6[%dma_start3A_317] : memref<100000xf32, #tpu.memory_space<vmem>> -> memref<50048xf32, #tpu.memory_space<vmem>>
        %dma_start3A_319 = arith.constant 49920 : i32
        %dma_start3A_320 = tpu.memref_slice %arg2[%min3A_141, %dma_start3A_319] : memref<416x100000xf32, #tpu.memory_space<hbm>> -> memref<1x50048xf32, #tpu.memory_space<hbm>>
        %dma_start3A_321 = tpu.memref_squeeze %dma_start3A_320 : memref<1x50048xf32, #tpu.memory_space<hbm>> -> memref<50048xf32, #tpu.memory_space<hbm>>
        tpu.enqueue_dma source(%dma_start3A_321 : memref<50048xf32, #tpu.memory_space<hbm>>) target(%dma_start3A_318 : memref<50048xf32, #tpu.memory_space<vmem>>) target_semaphore(%arg12 : memref<!tpu.dma_semaphore, #tpu.memory_space<semaphore_mem>>)
      } else {
      }
    }
    %scan3A_95 = arith.constant 13 : i32
    %add3A_96 = arith.constant 13 : i32
    %add3A_97 = arith.addi %mul3A_2, %add3A_96 : i32
    %sub3A_98 = arith.constant 1 : i32
    %sub3A_99 = arith.subi %add3A_97, %sub3A_98 : i32
    %dma_wait3A_100 = arith.constant 8192 : i32
    %dma_wait3A_101 = tpu.memref_slice %arg5[%sub3A_99, %dma_wait3A_100] : memref<416x16384xf32, #tpu.memory_space<hbm>> -> memref<1x4096xf32, #tpu.memory_space<hbm>>
    %dma_wait3A_102 = tpu.memref_squeeze %dma_wait3A_101 : memref<1x4096xf32, #tpu.memory_space<hbm>> -> memref<4096xf32, #tpu.memory_space<hbm>>
    %dma_wait3A_103 = arith.constant 8192 : i32
    %dma_wait3A_104 = tpu.memref_slice %arg5[%sub3A_99, %dma_wait3A_103] : memref<416x16384xf32, #tpu.memory_space<hbm>> -> memref<1x4096xf32, #tpu.memory_space<hbm>>
    %dma_wait3A_105 = tpu.memref_squeeze %dma_wait3A_104 : memref<1x4096xf32, #tpu.memory_space<hbm>> -> memref<4096xf32, #tpu.memory_space<hbm>>
    tpu.wait_dma2 semaphore(%arg15 : memref<!tpu.dma_semaphore, #tpu.memory_space<semaphore_mem>>) src(%arg10 : memref<4096xf32, #tpu.memory_space<vmem>>) dst(%dma_wait3A_105 : memref<4096xf32, #tpu.memory_space<hbm>>)
    %dma_wait3A_106 = arith.constant 12288 : i32
    %dma_wait3A_107 = tpu.memref_slice %arg5[%sub3A_99, %dma_wait3A_106] : memref<416x16384xf32, #tpu.memory_space<hbm>> -> memref<1x4096xf32, #tpu.memory_space<hbm>>
    %dma_wait3A_108 = tpu.memref_squeeze %dma_wait3A_107 : memref<1x4096xf32, #tpu.memory_space<hbm>> -> memref<4096xf32, #tpu.memory_space<hbm>>
    %dma_wait3A_109 = arith.constant 12288 : i32
    %dma_wait3A_110 = tpu.memref_slice %arg5[%sub3A_99, %dma_wait3A_109] : memref<416x16384xf32, #tpu.memory_space<hbm>> -> memref<1x4096xf32, #tpu.memory_space<hbm>>
    %dma_wait3A_111 = tpu.memref_squeeze %dma_wait3A_110 : memref<1x4096xf32, #tpu.memory_space<hbm>> -> memref<4096xf32, #tpu.memory_space<hbm>>
    tpu.wait_dma2 semaphore(%arg16 : memref<!tpu.dma_semaphore, #tpu.memory_space<semaphore_mem>>) src(%arg11 : memref<4096xf32, #tpu.memory_space<vmem>>) dst(%dma_wait3A_111 : memref<4096xf32, #tpu.memory_space<hbm>>)
    return
  }
}

module attributes {stable_mosaic.version = 14 : i64} {
  func.func @_tc_body(%arg0: i32, %arg1: memref<416x2048xf32, #tpu.memory_space<vmem>>, %arg2: memref<400x416xbf16, #tpu.memory_space<vmem>>, %arg3: memref<400x2600xbf16, #tpu.memory_space<vmem>>, %arg4: memref<400x1xf32, #tpu.memory_space<vmem>>, %arg5: memref<1x400xf32, #tpu.memory_space<vmem>>, %arg6: memref<1x1xf32, #tpu.memory_space<vmem>>, %arg7: memref<1x1x2048xf32, #tpu.memory_space<vmem>>, %arg8: memref<2600x2048xbf16, #tpu.memory_space<vmem>>) attributes {dimension_semantics = [#tpu.dimension_semantics<arbitrary>], iteration_bounds = array<i64: 8>, scalar_prefetch = 0 : i64, scratch_operands = 1 : i64, tpu.core_type = #tpu.core_type<tc>, window_params = [{transform_indices = @transform_0, window_bounds = array<i64: 416, 2048>}, {pipeline_mode = #tpu.pipeline_mode<synchronous>, transform_indices = @transform_1, window_bounds = array<i64: 400, 416>}, {pipeline_mode = #tpu.pipeline_mode<synchronous>, transform_indices = @transform_2, window_bounds = array<i64: 400, 2600>}, {pipeline_mode = #tpu.pipeline_mode<synchronous>, transform_indices = @transform_3, window_bounds = array<i64: 400, 1>}, {pipeline_mode = #tpu.pipeline_mode<synchronous>, transform_indices = @transform_4, window_bounds = array<i64: 1, 400>}, {pipeline_mode = #tpu.pipeline_mode<synchronous>, transform_indices = @transform_5, window_bounds = array<i64: 1, 1>}, {transform_indices = @transform_6, window_bounds = array<i64: 1, 1, 2048>}]} {
    %get3A = arith.constant 0 : index
    %get3A_0 = arith.constant 0 : index
    %get3A_1 = vector.load %arg1[%get3A, %get3A_0] : memref<416x2048xf32, #tpu.memory_space<vmem>>, vector<416x2048xf32>
    %convert_element_type3A = arith.truncf %get3A_1 : vector<416x2048xf32> to vector<416x2048xbf16>
    %slice3A = vector.extract_strided_slice %get3A_1 {offsets = [0, 0], sizes = [16, 2048], strides = [1, 1]} : vector<416x2048xf32> to vector<16x2048xf32>
    %slice3A_2 = vector.extract_strided_slice %get3A_1 {offsets = [16, 0], sizes = [400, 2048], strides = [1, 1]} : vector<416x2048xf32> to vector<400x2048xf32>
    %reshape3A = vector.shape_cast %slice3A_2 : vector<400x2048xf32> to vector<25x16x2048xf32>
    %broadcast_in_dim3A = vector.shape_cast %slice3A : vector<16x2048xf32> to vector<1x16x2048xf32>
    %mul3A = vector.broadcast %broadcast_in_dim3A : vector<1x16x2048xf32> to vector<25x16x2048xf32>
    %mul3A_3 = arith.mulf %reshape3A, %mul3A : vector<25x16x2048xf32>
    %slice3A_4 = vector.extract_strided_slice %mul3A_3 {offsets = [0, 0, 0], sizes = [25, 8, 2048], strides = [1, 1, 1]} : vector<25x16x2048xf32> to vector<25x8x2048xf32>
    %slice3A_5 = vector.extract_strided_slice %mul3A_3 {offsets = [0, 8, 0], sizes = [25, 8, 2048], strides = [1, 1, 1]} : vector<25x16x2048xf32> to vector<25x8x2048xf32>
    %add3A = arith.addf %slice3A_4, %slice3A_5 : vector<25x8x2048xf32>
    %reshape3A_6 = vector.shape_cast %add3A : vector<25x8x2048xf32> to vector<200x2048xf32>
    %convert_element_type3A_7 = arith.truncf %reshape3A_6 : vector<200x2048xf32> to vector<200x2048xbf16>
    %swap3A = arith.constant 0 : index
    %swap3A_8 = arith.constant 0 : index
    %swap3A_9 = vector.load %arg8[%swap3A, %swap3A_8] : memref<2600x2048xbf16, #tpu.memory_space<vmem>>, vector<200x2048xbf16>
    tpu.vector_store %arg8[%swap3A, %swap3A_8], %convert_element_type3A_7 {strides = array<i32>} : memref<2600x2048xbf16, #tpu.memory_space<vmem>>, vector<200x2048xbf16>,
    %slice3A_10 = vector.extract_strided_slice %get3A_1 {offsets = [16, 0], sizes = [16, 2048], strides = [1, 1]} : vector<416x2048xf32> to vector<16x2048xf32>
    %slice3A_11 = vector.extract_strided_slice %get3A_1 {offsets = [32, 0], sizes = [384, 2048], strides = [1, 1]} : vector<416x2048xf32> to vector<384x2048xf32>
    %reshape3A_12 = vector.shape_cast %slice3A_11 : vector<384x2048xf32> to vector<24x16x2048xf32>
    %broadcast_in_dim3A_13 = vector.shape_cast %slice3A_10 : vector<16x2048xf32> to vector<1x16x2048xf32>
    %mul3A_14 = vector.broadcast %broadcast_in_dim3A_13 : vector<1x16x2048xf32> to vector<24x16x2048xf32>
    %mul3A_15 = arith.mulf %reshape3A_12, %mul3A_14 : vector<24x16x2048xf32>
    %slice3A_16 = vector.extract_strided_slice %mul3A_15 {offsets = [0, 0, 0], sizes = [24, 8, 2048], strides = [1, 1, 1]} : vector<24x16x2048xf32> to vector<24x8x2048xf32>
    %slice3A_17 = vector.extract_strided_slice %mul3A_15 {offsets = [0, 8, 0], sizes = [24, 8, 2048], strides = [1, 1, 1]} : vector<24x16x2048xf32> to vector<24x8x2048xf32>
    %add3A_18 = arith.addf %slice3A_16, %slice3A_17 : vector<24x8x2048xf32>
    %reshape3A_19 = vector.shape_cast %add3A_18 : vector<24x8x2048xf32> to vector<192x2048xf32>
    %convert_element_type3A_20 = arith.truncf %reshape3A_19 : vector<192x2048xf32> to vector<192x2048xbf16>
    %swap3A_21 = arith.constant 200 : index
    %swap3A_22 = arith.constant 0 : index
    %swap3A_23 = vector.load %arg8[%swap3A_21, %swap3A_22] : memref<2600x2048xbf16, #tpu.memory_space<vmem>>, vector<192x2048xbf16>
    tpu.vector_store %arg8[%swap3A_21, %swap3A_22], %convert_element_type3A_20 {strides = array<i32>} : memref<2600x2048xbf16, #tpu.memory_space<vmem>>, vector<192x2048xbf16>,
    %slice3A_24 = vector.extract_strided_slice %get3A_1 {offsets = [32, 0], sizes = [16, 2048], strides = [1, 1]} : vector<416x2048xf32> to vector<16x2048xf32>
    %slice3A_25 = vector.extract_strided_slice %get3A_1 {offsets = [48, 0], sizes = [368, 2048], strides = [1, 1]} : vector<416x2048xf32> to vector<368x2048xf32>
    %reshape3A_26 = vector.shape_cast %slice3A_25 : vector<368x2048xf32> to vector<23x16x2048xf32>
    %broadcast_in_dim3A_27 = vector.shape_cast %slice3A_24 : vector<16x2048xf32> to vector<1x16x2048xf32>
    %mul3A_28 = vector.broadcast %broadcast_in_dim3A_27 : vector<1x16x2048xf32> to vector<23x16x2048xf32>
    %mul3A_29 = arith.mulf %reshape3A_26, %mul3A_28 : vector<23x16x2048xf32>
    %slice3A_30 = vector.extract_strided_slice %mul3A_29 {offsets = [0, 0, 0], sizes = [23, 8, 2048], strides = [1, 1, 1]} : vector<23x16x2048xf32> to vector<23x8x2048xf32>
    %slice3A_31 = vector.extract_strided_slice %mul3A_29 {offsets = [0, 8, 0], sizes = [23, 8, 2048], strides = [1, 1, 1]} : vector<23x16x2048xf32> to vector<23x8x2048xf32>
    %add3A_32 = arith.addf %slice3A_30, %slice3A_31 : vector<23x8x2048xf32>
    %reshape3A_33 = vector.shape_cast %add3A_32 : vector<23x8x2048xf32> to vector<184x2048xf32>
    %convert_element_type3A_34 = arith.truncf %reshape3A_33 : vector<184x2048xf32> to vector<184x2048xbf16>
    %swap3A_35 = arith.constant 392 : index
    %swap3A_36 = arith.constant 0 : index
    %swap3A_37 = vector.load %arg8[%swap3A_35, %swap3A_36] : memref<2600x2048xbf16, #tpu.memory_space<vmem>>, vector<184x2048xbf16>
    tpu.vector_store %arg8[%swap3A_35, %swap3A_36], %convert_element_type3A_34 {strides = array<i32>} : memref<2600x2048xbf16, #tpu.memory_space<vmem>>, vector<184x2048xbf16>,
    %slice3A_38 = vector.extract_strided_slice %get3A_1 {offsets = [48, 0], sizes = [16, 2048], strides = [1, 1]} : vector<416x2048xf32> to vector<16x2048xf32>
    %slice3A_39 = vector.extract_strided_slice %get3A_1 {offsets = [64, 0], sizes = [352, 2048], strides = [1, 1]} : vector<416x2048xf32> to vector<352x2048xf32>
    %reshape3A_40 = vector.shape_cast %slice3A_39 : vector<352x2048xf32> to vector<22x16x2048xf32>
    %broadcast_in_dim3A_41 = vector.shape_cast %slice3A_38 : vector<16x2048xf32> to vector<1x16x2048xf32>
    %mul3A_42 = vector.broadcast %broadcast_in_dim3A_41 : vector<1x16x2048xf32> to vector<22x16x2048xf32>
    %mul3A_43 = arith.mulf %reshape3A_40, %mul3A_42 : vector<22x16x2048xf32>
    %slice3A_44 = vector.extract_strided_slice %mul3A_43 {offsets = [0, 0, 0], sizes = [22, 8, 2048], strides = [1, 1, 1]} : vector<22x16x2048xf32> to vector<22x8x2048xf32>
    %slice3A_45 = vector.extract_strided_slice %mul3A_43 {offsets = [0, 8, 0], sizes = [22, 8, 2048], strides = [1, 1, 1]} : vector<22x16x2048xf32> to vector<22x8x2048xf32>
    %add3A_46 = arith.addf %slice3A_44, %slice3A_45 : vector<22x8x2048xf32>
    %reshape3A_47 = vector.shape_cast %add3A_46 : vector<22x8x2048xf32> to vector<176x2048xf32>
    %convert_element_type3A_48 = arith.truncf %reshape3A_47 : vector<176x2048xf32> to vector<176x2048xbf16>
    %swap3A_49 = arith.constant 576 : index
    %swap3A_50 = arith.constant 0 : index
    %swap3A_51 = vector.load %arg8[%swap3A_49, %swap3A_50] : memref<2600x2048xbf16, #tpu.memory_space<vmem>>, vector<176x2048xbf16>
    tpu.vector_store %arg8[%swap3A_49, %swap3A_50], %convert_element_type3A_48 {strides = array<i32>} : memref<2600x2048xbf16, #tpu.memory_space<vmem>>, vector<176x2048xbf16>,
    %slice3A_52 = vector.extract_strided_slice %get3A_1 {offsets = [64, 0], sizes = [16, 2048], strides = [1, 1]} : vector<416x2048xf32> to vector<16x2048xf32>
    %slice3A_53 = vector.extract_strided_slice %get3A_1 {offsets = [80, 0], sizes = [336, 2048], strides = [1, 1]} : vector<416x2048xf32> to vector<336x2048xf32>
    %reshape3A_54 = vector.shape_cast %slice3A_53 : vector<336x2048xf32> to vector<21x16x2048xf32>
    %broadcast_in_dim3A_55 = vector.shape_cast %slice3A_52 : vector<16x2048xf32> to vector<1x16x2048xf32>
    %mul3A_56 = vector.broadcast %broadcast_in_dim3A_55 : vector<1x16x2048xf32> to vector<21x16x2048xf32>
    %mul3A_57 = arith.mulf %reshape3A_54, %mul3A_56 : vector<21x16x2048xf32>
    %slice3A_58 = vector.extract_strided_slice %mul3A_57 {offsets = [0, 0, 0], sizes = [21, 8, 2048], strides = [1, 1, 1]} : vector<21x16x2048xf32> to vector<21x8x2048xf32>
    %slice3A_59 = vector.extract_strided_slice %mul3A_57 {offsets = [0, 8, 0], sizes = [21, 8, 2048], strides = [1, 1, 1]} : vector<21x16x2048xf32> to vector<21x8x2048xf32>
    %add3A_60 = arith.addf %slice3A_58, %slice3A_59 : vector<21x8x2048xf32>
    %reshape3A_61 = vector.shape_cast %add3A_60 : vector<21x8x2048xf32> to vector<168x2048xf32>
    %convert_element_type3A_62 = arith.truncf %reshape3A_61 : vector<168x2048xf32> to vector<168x2048xbf16>
    %swap3A_63 = arith.constant 752 : index
    %swap3A_64 = arith.constant 0 : index
    %swap3A_65 = vector.load %arg8[%swap3A_63, %swap3A_64] : memref<2600x2048xbf16, #tpu.memory_space<vmem>>, vector<168x2048xbf16>
    tpu.vector_store %arg8[%swap3A_63, %swap3A_64], %convert_element_type3A_62 {strides = array<i32>} : memref<2600x2048xbf16, #tpu.memory_space<vmem>>, vector<168x2048xbf16>,
    %slice3A_66 = vector.extract_strided_slice %get3A_1 {offsets = [80, 0], sizes = [16, 2048], strides = [1, 1]} : vector<416x2048xf32> to vector<16x2048xf32>
    %slice3A_67 = vector.extract_strided_slice %get3A_1 {offsets = [96, 0], sizes = [320, 2048], strides = [1, 1]} : vector<416x2048xf32> to vector<320x2048xf32>
    %reshape3A_68 = vector.shape_cast %slice3A_67 : vector<320x2048xf32> to vector<20x16x2048xf32>
    %broadcast_in_dim3A_69 = vector.shape_cast %slice3A_66 : vector<16x2048xf32> to vector<1x16x2048xf32>
    %mul3A_70 = vector.broadcast %broadcast_in_dim3A_69 : vector<1x16x2048xf32> to vector<20x16x2048xf32>
    %mul3A_71 = arith.mulf %reshape3A_68, %mul3A_70 : vector<20x16x2048xf32>
    %slice3A_72 = vector.extract_strided_slice %mul3A_71 {offsets = [0, 0, 0], sizes = [20, 8, 2048], strides = [1, 1, 1]} : vector<20x16x2048xf32> to vector<20x8x2048xf32>
    %slice3A_73 = vector.extract_strided_slice %mul3A_71 {offsets = [0, 8, 0], sizes = [20, 8, 2048], strides = [1, 1, 1]} : vector<20x16x2048xf32> to vector<20x8x2048xf32>
    %add3A_74 = arith.addf %slice3A_72, %slice3A_73 : vector<20x8x2048xf32>
    %reshape3A_75 = vector.shape_cast %add3A_74 : vector<20x8x2048xf32> to vector<160x2048xf32>
    %convert_element_type3A_76 = arith.truncf %reshape3A_75 : vector<160x2048xf32> to vector<160x2048xbf16>
    %swap3A_77 = arith.constant 920 : index
    %swap3A_78 = arith.constant 0 : index
    %swap3A_79 = vector.load %arg8[%swap3A_77, %swap3A_78] : memref<2600x2048xbf16, #tpu.memory_space<vmem>>, vector<160x2048xbf16>
    tpu.vector_store %arg8[%swap3A_77, %swap3A_78], %convert_element_type3A_76 {strides = array<i32>} : memref<2600x2048xbf16, #tpu.memory_space<vmem>>, vector<160x2048xbf16>,
    %slice3A_80 = vector.extract_strided_slice %get3A_1 {offsets = [96, 0], sizes = [16, 2048], strides = [1, 1]} : vector<416x2048xf32> to vector<16x2048xf32>
    %slice3A_81 = vector.extract_strided_slice %get3A_1 {offsets = [112, 0], sizes = [304, 2048], strides = [1, 1]} : vector<416x2048xf32> to vector<304x2048xf32>
    %reshape3A_82 = vector.shape_cast %slice3A_81 : vector<304x2048xf32> to vector<19x16x2048xf32>
    %broadcast_in_dim3A_83 = vector.shape_cast %slice3A_80 : vector<16x2048xf32> to vector<1x16x2048xf32>
    %mul3A_84 = vector.broadcast %broadcast_in_dim3A_83 : vector<1x16x2048xf32> to vector<19x16x2048xf32>
    %mul3A_85 = arith.mulf %reshape3A_82, %mul3A_84 : vector<19x16x2048xf32>
    %slice3A_86 = vector.extract_strided_slice %mul3A_85 {offsets = [0, 0, 0], sizes = [19, 8, 2048], strides = [1, 1, 1]} : vector<19x16x2048xf32> to vector<19x8x2048xf32>
    %slice3A_87 = vector.extract_strided_slice %mul3A_85 {offsets = [0, 8, 0], sizes = [19, 8, 2048], strides = [1, 1, 1]} : vector<19x16x2048xf32> to vector<19x8x2048xf32>
    %add3A_88 = arith.addf %slice3A_86, %slice3A_87 : vector<19x8x2048xf32>
    %reshape3A_89 = vector.shape_cast %add3A_88 : vector<19x8x2048xf32> to vector<152x2048xf32>
    %convert_element_type3A_90 = arith.truncf %reshape3A_89 : vector<152x2048xf32> to vector<152x2048xbf16>
    %swap3A_91 = arith.constant 1080 : index
    %swap3A_92 = arith.constant 0 : index
    %swap3A_93 = vector.load %arg8[%swap3A_91, %swap3A_92] : memref<2600x2048xbf16, #tpu.memory_space<vmem>>, vector<152x2048xbf16>
    tpu.vector_store %arg8[%swap3A_91, %swap3A_92], %convert_element_type3A_90 {strides = array<i32>} : memref<2600x2048xbf16, #tpu.memory_space<vmem>>, vector<152x2048xbf16>,
    %slice3A_94 = vector.extract_strided_slice %get3A_1 {offsets = [112, 0], sizes = [16, 2048], strides = [1, 1]} : vector<416x2048xf32> to vector<16x2048xf32>
    %slice3A_95 = vector.extract_strided_slice %get3A_1 {offsets = [128, 0], sizes = [288, 2048], strides = [1, 1]} : vector<416x2048xf32> to vector<288x2048xf32>
    %reshape3A_96 = vector.shape_cast %slice3A_95 : vector<288x2048xf32> to vector<18x16x2048xf32>
    %broadcast_in_dim3A_97 = vector.shape_cast %slice3A_94 : vector<16x2048xf32> to vector<1x16x2048xf32>
    %mul3A_98 = vector.broadcast %broadcast_in_dim3A_97 : vector<1x16x2048xf32> to vector<18x16x2048xf32>
    %mul3A_99 = arith.mulf %reshape3A_96, %mul3A_98 : vector<18x16x2048xf32>
    %slice3A_100 = vector.extract_strided_slice %mul3A_99 {offsets = [0, 0, 0], sizes = [18, 8, 2048], strides = [1, 1, 1]} : vector<18x16x2048xf32> to vector<18x8x2048xf32>
    %slice3A_101 = vector.extract_strided_slice %mul3A_99 {offsets = [0, 8, 0], sizes = [18, 8, 2048], strides = [1, 1, 1]} : vector<18x16x2048xf32> to vector<18x8x2048xf32>
    %add3A_102 = arith.addf %slice3A_100, %slice3A_101 : vector<18x8x2048xf32>
    %reshape3A_103 = vector.shape_cast %add3A_102 : vector<18x8x2048xf32> to vector<144x2048xf32>
    %convert_element_type3A_104 = arith.truncf %reshape3A_103 : vector<144x2048xf32> to vector<144x2048xbf16>
    %swap3A_105 = arith.constant 1232 : index
    %swap3A_106 = arith.constant 0 : index
    %swap3A_107 = vector.load %arg8[%swap3A_105, %swap3A_106] : memref<2600x2048xbf16, #tpu.memory_space<vmem>>, vector<144x2048xbf16>
    tpu.vector_store %arg8[%swap3A_105, %swap3A_106], %convert_element_type3A_104 {strides = array<i32>} : memref<2600x2048xbf16, #tpu.memory_space<vmem>>, vector<144x2048xbf16>,
    %slice3A_108 = vector.extract_strided_slice %get3A_1 {offsets = [128, 0], sizes = [16, 2048], strides = [1, 1]} : vector<416x2048xf32> to vector<16x2048xf32>
    %slice3A_109 = vector.extract_strided_slice %get3A_1 {offsets = [144, 0], sizes = [272, 2048], strides = [1, 1]} : vector<416x2048xf32> to vector<272x2048xf32>
    %reshape3A_110 = vector.shape_cast %slice3A_109 : vector<272x2048xf32> to vector<17x16x2048xf32>
    %broadcast_in_dim3A_111 = vector.shape_cast %slice3A_108 : vector<16x2048xf32> to vector<1x16x2048xf32>
    %mul3A_112 = vector.broadcast %broadcast_in_dim3A_111 : vector<1x16x2048xf32> to vector<17x16x2048xf32>
    %mul3A_113 = arith.mulf %reshape3A_110, %mul3A_112 : vector<17x16x2048xf32>
    %slice3A_114 = vector.extract_strided_slice %mul3A_113 {offsets = [0, 0, 0], sizes = [17, 8, 2048], strides = [1, 1, 1]} : vector<17x16x2048xf32> to vector<17x8x2048xf32>
    %slice3A_115 = vector.extract_strided_slice %mul3A_113 {offsets = [0, 8, 0], sizes = [17, 8, 2048], strides = [1, 1, 1]} : vector<17x16x2048xf32> to vector<17x8x2048xf32>
    %add3A_116 = arith.addf %slice3A_114, %slice3A_115 : vector<17x8x2048xf32>
    %reshape3A_117 = vector.shape_cast %add3A_116 : vector<17x8x2048xf32> to vector<136x2048xf32>
    %convert_element_type3A_118 = arith.truncf %reshape3A_117 : vector<136x2048xf32> to vector<136x2048xbf16>
    %swap3A_119 = arith.constant 1376 : index
    %swap3A_120 = arith.constant 0 : index
    %swap3A_121 = vector.load %arg8[%swap3A_119, %swap3A_120] : memref<2600x2048xbf16, #tpu.memory_space<vmem>>, vector<136x2048xbf16>
    tpu.vector_store %arg8[%swap3A_119, %swap3A_120], %convert_element_type3A_118 {strides = array<i32>} : memref<2600x2048xbf16, #tpu.memory_space<vmem>>, vector<136x2048xbf16>,
    %slice3A_122 = vector.extract_strided_slice %get3A_1 {offsets = [144, 0], sizes = [16, 2048], strides = [1, 1]} : vector<416x2048xf32> to vector<16x2048xf32>
    %slice3A_123 = vector.extract_strided_slice %get3A_1 {offsets = [160, 0], sizes = [256, 2048], strides = [1, 1]} : vector<416x2048xf32> to vector<256x2048xf32>
    %reshape3A_124 = vector.shape_cast %slice3A_123 : vector<256x2048xf32> to vector<16x16x2048xf32>
    %broadcast_in_dim3A_125 = vector.shape_cast %slice3A_122 : vector<16x2048xf32> to vector<1x16x2048xf32>
    %mul3A_126 = vector.broadcast %broadcast_in_dim3A_125 : vector<1x16x2048xf32> to vector<16x16x2048xf32>
    %mul3A_127 = arith.mulf %reshape3A_124, %mul3A_126 : vector<16x16x2048xf32>
    %slice3A_128 = vector.extract_strided_slice %mul3A_127 {offsets = [0, 0, 0], sizes = [16, 8, 2048], strides = [1, 1, 1]} : vector<16x16x2048xf32> to vector<16x8x2048xf32>
    %slice3A_129 = vector.extract_strided_slice %mul3A_127 {offsets = [0, 8, 0], sizes = [16, 8, 2048], strides = [1, 1, 1]} : vector<16x16x2048xf32> to vector<16x8x2048xf32>
    %add3A_130 = arith.addf %slice3A_128, %slice3A_129 : vector<16x8x2048xf32>
    %reshape3A_131 = vector.shape_cast %add3A_130 : vector<16x8x2048xf32> to vector<128x2048xf32>
    %convert_element_type3A_132 = arith.truncf %reshape3A_131 : vector<128x2048xf32> to vector<128x2048xbf16>
    %swap3A_133 = arith.constant 1512 : index
    %swap3A_134 = arith.constant 0 : index
    %swap3A_135 = vector.load %arg8[%swap3A_133, %swap3A_134] : memref<2600x2048xbf16, #tpu.memory_space<vmem>>, vector<128x2048xbf16>
    tpu.vector_store %arg8[%swap3A_133, %swap3A_134], %convert_element_type3A_132 {strides = array<i32>} : memref<2600x2048xbf16, #tpu.memory_space<vmem>>, vector<128x2048xbf16>,
    %slice3A_136 = vector.extract_strided_slice %get3A_1 {offsets = [160, 0], sizes = [16, 2048], strides = [1, 1]} : vector<416x2048xf32> to vector<16x2048xf32>
    %slice3A_137 = vector.extract_strided_slice %get3A_1 {offsets = [176, 0], sizes = [240, 2048], strides = [1, 1]} : vector<416x2048xf32> to vector<240x2048xf32>
    %reshape3A_138 = vector.shape_cast %slice3A_137 : vector<240x2048xf32> to vector<15x16x2048xf32>
    %broadcast_in_dim3A_139 = vector.shape_cast %slice3A_136 : vector<16x2048xf32> to vector<1x16x2048xf32>
    %mul3A_140 = vector.broadcast %broadcast_in_dim3A_139 : vector<1x16x2048xf32> to vector<15x16x2048xf32>
    %mul3A_141 = arith.mulf %reshape3A_138, %mul3A_140 : vector<15x16x2048xf32>
    %slice3A_142 = vector.extract_strided_slice %mul3A_141 {offsets = [0, 0, 0], sizes = [15, 8, 2048], strides = [1, 1, 1]} : vector<15x16x2048xf32> to vector<15x8x2048xf32>
    %slice3A_143 = vector.extract_strided_slice %mul3A_141 {offsets = [0, 8, 0], sizes = [15, 8, 2048], strides = [1, 1, 1]} : vector<15x16x2048xf32> to vector<15x8x2048xf32>
    %add3A_144 = arith.addf %slice3A_142, %slice3A_143 : vector<15x8x2048xf32>
    %reshape3A_145 = vector.shape_cast %add3A_144 : vector<15x8x2048xf32> to vector<120x2048xf32>
    %convert_element_type3A_146 = arith.truncf %reshape3A_145 : vector<120x2048xf32> to vector<120x2048xbf16>
    %swap3A_147 = arith.constant 1640 : index
    %swap3A_148 = arith.constant 0 : index
    %swap3A_149 = vector.load %arg8[%swap3A_147, %swap3A_148] : memref<2600x2048xbf16, #tpu.memory_space<vmem>>, vector<120x2048xbf16>
    tpu.vector_store %arg8[%swap3A_147, %swap3A_148], %convert_element_type3A_146 {strides = array<i32>} : memref<2600x2048xbf16, #tpu.memory_space<vmem>>, vector<120x2048xbf16>,
    %slice3A_150 = vector.extract_strided_slice %get3A_1 {offsets = [176, 0], sizes = [16, 2048], strides = [1, 1]} : vector<416x2048xf32> to vector<16x2048xf32>
    %slice3A_151 = vector.extract_strided_slice %get3A_1 {offsets = [192, 0], sizes = [224, 2048], strides = [1, 1]} : vector<416x2048xf32> to vector<224x2048xf32>
    %reshape3A_152 = vector.shape_cast %slice3A_151 : vector<224x2048xf32> to vector<14x16x2048xf32>
    %broadcast_in_dim3A_153 = vector.shape_cast %slice3A_150 : vector<16x2048xf32> to vector<1x16x2048xf32>
    %mul3A_154 = vector.broadcast %broadcast_in_dim3A_153 : vector<1x16x2048xf32> to vector<14x16x2048xf32>
    %mul3A_155 = arith.mulf %reshape3A_152, %mul3A_154 : vector<14x16x2048xf32>
    %slice3A_156 = vector.extract_strided_slice %mul3A_155 {offsets = [0, 0, 0], sizes = [14, 8, 2048], strides = [1, 1, 1]} : vector<14x16x2048xf32> to vector<14x8x2048xf32>
    %slice3A_157 = vector.extract_strided_slice %mul3A_155 {offsets = [0, 8, 0], sizes = [14, 8, 2048], strides = [1, 1, 1]} : vector<14x16x2048xf32> to vector<14x8x2048xf32>
    %add3A_158 = arith.addf %slice3A_156, %slice3A_157 : vector<14x8x2048xf32>
    %reshape3A_159 = vector.shape_cast %add3A_158 : vector<14x8x2048xf32> to vector<112x2048xf32>
    %convert_element_type3A_160 = arith.truncf %reshape3A_159 : vector<112x2048xf32> to vector<112x2048xbf16>
    %swap3A_161 = arith.constant 1760 : index
    %swap3A_162 = arith.constant 0 : index
    %swap3A_163 = vector.load %arg8[%swap3A_161, %swap3A_162] : memref<2600x2048xbf16, #tpu.memory_space<vmem>>, vector<112x2048xbf16>
    tpu.vector_store %arg8[%swap3A_161, %swap3A_162], %convert_element_type3A_160 {strides = array<i32>} : memref<2600x2048xbf16, #tpu.memory_space<vmem>>, vector<112x2048xbf16>,
    %slice3A_164 = vector.extract_strided_slice %get3A_1 {offsets = [192, 0], sizes = [16, 2048], strides = [1, 1]} : vector<416x2048xf32> to vector<16x2048xf32>
    %slice3A_165 = vector.extract_strided_slice %get3A_1 {offsets = [208, 0], sizes = [208, 2048], strides = [1, 1]} : vector<416x2048xf32> to vector<208x2048xf32>
    %reshape3A_166 = vector.shape_cast %slice3A_165 : vector<208x2048xf32> to vector<13x16x2048xf32>
    %broadcast_in_dim3A_167 = vector.shape_cast %slice3A_164 : vector<16x2048xf32> to vector<1x16x2048xf32>
    %mul3A_168 = vector.broadcast %broadcast_in_dim3A_167 : vector<1x16x2048xf32> to vector<13x16x2048xf32>
    %mul3A_169 = arith.mulf %reshape3A_166, %mul3A_168 : vector<13x16x2048xf32>
    %slice3A_170 = vector.extract_strided_slice %mul3A_169 {offsets = [0, 0, 0], sizes = [13, 8, 2048], strides = [1, 1, 1]} : vector<13x16x2048xf32> to vector<13x8x2048xf32>
    %slice3A_171 = vector.extract_strided_slice %mul3A_169 {offsets = [0, 8, 0], sizes = [13, 8, 2048], strides = [1, 1, 1]} : vector<13x16x2048xf32> to vector<13x8x2048xf32>
    %add3A_172 = arith.addf %slice3A_170, %slice3A_171 : vector<13x8x2048xf32>
    %reshape3A_173 = vector.shape_cast %add3A_172 : vector<13x8x2048xf32> to vector<104x2048xf32>
    %convert_element_type3A_174 = arith.truncf %reshape3A_173 : vector<104x2048xf32> to vector<104x2048xbf16>
    %swap3A_175 = arith.constant 1872 : index
    %swap3A_176 = arith.constant 0 : index
    %swap3A_177 = vector.load %arg8[%swap3A_175, %swap3A_176] : memref<2600x2048xbf16, #tpu.memory_space<vmem>>, vector<104x2048xbf16>
    tpu.vector_store %arg8[%swap3A_175, %swap3A_176], %convert_element_type3A_174 {strides = array<i32>} : memref<2600x2048xbf16, #tpu.memory_space<vmem>>, vector<104x2048xbf16>,
    %slice3A_178 = vector.extract_strided_slice %get3A_1 {offsets = [208, 0], sizes = [16, 2048], strides = [1, 1]} : vector<416x2048xf32> to vector<16x2048xf32>
    %slice3A_179 = vector.extract_strided_slice %get3A_1 {offsets = [224, 0], sizes = [192, 2048], strides = [1, 1]} : vector<416x2048xf32> to vector<192x2048xf32>
    %reshape3A_180 = vector.shape_cast %slice3A_179 : vector<192x2048xf32> to vector<12x16x2048xf32>
    %broadcast_in_dim3A_181 = vector.shape_cast %slice3A_178 : vector<16x2048xf32> to vector<1x16x2048xf32>
    %mul3A_182 = vector.broadcast %broadcast_in_dim3A_181 : vector<1x16x2048xf32> to vector<12x16x2048xf32>
    %mul3A_183 = arith.mulf %reshape3A_180, %mul3A_182 : vector<12x16x2048xf32>
    %slice3A_184 = vector.extract_strided_slice %mul3A_183 {offsets = [0, 0, 0], sizes = [12, 8, 2048], strides = [1, 1, 1]} : vector<12x16x2048xf32> to vector<12x8x2048xf32>
    %slice3A_185 = vector.extract_strided_slice %mul3A_183 {offsets = [0, 8, 0], sizes = [12, 8, 2048], strides = [1, 1, 1]} : vector<12x16x2048xf32> to vector<12x8x2048xf32>
    %add3A_186 = arith.addf %slice3A_184, %slice3A_185 : vector<12x8x2048xf32>
    %reshape3A_187 = vector.shape_cast %add3A_186 : vector<12x8x2048xf32> to vector<96x2048xf32>
    %convert_element_type3A_188 = arith.truncf %reshape3A_187 : vector<96x2048xf32> to vector<96x2048xbf16>
    %swap3A_189 = arith.constant 1976 : index
    %swap3A_190 = arith.constant 0 : index
    %swap3A_191 = vector.load %arg8[%swap3A_189, %swap3A_190] : memref<2600x2048xbf16, #tpu.memory_space<vmem>>, vector<96x2048xbf16>
    tpu.vector_store %arg8[%swap3A_189, %swap3A_190], %convert_element_type3A_188 {strides = array<i32>} : memref<2600x2048xbf16, #tpu.memory_space<vmem>>, vector<96x2048xbf16>,
    %slice3A_192 = vector.extract_strided_slice %get3A_1 {offsets = [224, 0], sizes = [16, 2048], strides = [1, 1]} : vector<416x2048xf32> to vector<16x2048xf32>
    %slice3A_193 = vector.extract_strided_slice %get3A_1 {offsets = [240, 0], sizes = [176, 2048], strides = [1, 1]} : vector<416x2048xf32> to vector<176x2048xf32>
    %reshape3A_194 = vector.shape_cast %slice3A_193 : vector<176x2048xf32> to vector<11x16x2048xf32>
    %broadcast_in_dim3A_195 = vector.shape_cast %slice3A_192 : vector<16x2048xf32> to vector<1x16x2048xf32>
    %mul3A_196 = vector.broadcast %broadcast_in_dim3A_195 : vector<1x16x2048xf32> to vector<11x16x2048xf32>
    %mul3A_197 = arith.mulf %reshape3A_194, %mul3A_196 : vector<11x16x2048xf32>
    %slice3A_198 = vector.extract_strided_slice %mul3A_197 {offsets = [0, 0, 0], sizes = [11, 8, 2048], strides = [1, 1, 1]} : vector<11x16x2048xf32> to vector<11x8x2048xf32>
    %slice3A_199 = vector.extract_strided_slice %mul3A_197 {offsets = [0, 8, 0], sizes = [11, 8, 2048], strides = [1, 1, 1]} : vector<11x16x2048xf32> to vector<11x8x2048xf32>
    %add3A_200 = arith.addf %slice3A_198, %slice3A_199 : vector<11x8x2048xf32>
    %reshape3A_201 = vector.shape_cast %add3A_200 : vector<11x8x2048xf32> to vector<88x2048xf32>
    %convert_element_type3A_202 = arith.truncf %reshape3A_201 : vector<88x2048xf32> to vector<88x2048xbf16>
    %swap3A_203 = arith.constant 2072 : index
    %swap3A_204 = arith.constant 0 : index
    %swap3A_205 = vector.load %arg8[%swap3A_203, %swap3A_204] : memref<2600x2048xbf16, #tpu.memory_space<vmem>>, vector<88x2048xbf16>
    tpu.vector_store %arg8[%swap3A_203, %swap3A_204], %convert_element_type3A_202 {strides = array<i32>} : memref<2600x2048xbf16, #tpu.memory_space<vmem>>, vector<88x2048xbf16>,
    %slice3A_206 = vector.extract_strided_slice %get3A_1 {offsets = [240, 0], sizes = [16, 2048], strides = [1, 1]} : vector<416x2048xf32> to vector<16x2048xf32>
    %slice3A_207 = vector.extract_strided_slice %get3A_1 {offsets = [256, 0], sizes = [160, 2048], strides = [1, 1]} : vector<416x2048xf32> to vector<160x2048xf32>
    %reshape3A_208 = vector.shape_cast %slice3A_207 : vector<160x2048xf32> to vector<10x16x2048xf32>
    %broadcast_in_dim3A_209 = vector.shape_cast %slice3A_206 : vector<16x2048xf32> to vector<1x16x2048xf32>
    %mul3A_210 = vector.broadcast %broadcast_in_dim3A_209 : vector<1x16x2048xf32> to vector<10x16x2048xf32>
    %mul3A_211 = arith.mulf %reshape3A_208, %mul3A_210 : vector<10x16x2048xf32>
    %slice3A_212 = vector.extract_strided_slice %mul3A_211 {offsets = [0, 0, 0], sizes = [10, 8, 2048], strides = [1, 1, 1]} : vector<10x16x2048xf32> to vector<10x8x2048xf32>
    %slice3A_213 = vector.extract_strided_slice %mul3A_211 {offsets = [0, 8, 0], sizes = [10, 8, 2048], strides = [1, 1, 1]} : vector<10x16x2048xf32> to vector<10x8x2048xf32>
    %add3A_214 = arith.addf %slice3A_212, %slice3A_213 : vector<10x8x2048xf32>
    %reshape3A_215 = vector.shape_cast %add3A_214 : vector<10x8x2048xf32> to vector<80x2048xf32>
    %convert_element_type3A_216 = arith.truncf %reshape3A_215 : vector<80x2048xf32> to vector<80x2048xbf16>
    %swap3A_217 = arith.constant 2160 : index
    %swap3A_218 = arith.constant 0 : index
    %swap3A_219 = vector.load %arg8[%swap3A_217, %swap3A_218] : memref<2600x2048xbf16, #tpu.memory_space<vmem>>, vector<80x2048xbf16>
    tpu.vector_store %arg8[%swap3A_217, %swap3A_218], %convert_element_type3A_216 {strides = array<i32>} : memref<2600x2048xbf16, #tpu.memory_space<vmem>>, vector<80x2048xbf16>,
    %slice3A_220 = vector.extract_strided_slice %get3A_1 {offsets = [256, 0], sizes = [16, 2048], strides = [1, 1]} : vector<416x2048xf32> to vector<16x2048xf32>
    %slice3A_221 = vector.extract_strided_slice %get3A_1 {offsets = [272, 0], sizes = [144, 2048], strides = [1, 1]} : vector<416x2048xf32> to vector<144x2048xf32>
    %reshape3A_222 = vector.shape_cast %slice3A_221 : vector<144x2048xf32> to vector<9x16x2048xf32>
    %broadcast_in_dim3A_223 = vector.shape_cast %slice3A_220 : vector<16x2048xf32> to vector<1x16x2048xf32>
    %mul3A_224 = vector.broadcast %broadcast_in_dim3A_223 : vector<1x16x2048xf32> to vector<9x16x2048xf32>
    %mul3A_225 = arith.mulf %reshape3A_222, %mul3A_224 : vector<9x16x2048xf32>
    %slice3A_226 = vector.extract_strided_slice %mul3A_225 {offsets = [0, 0, 0], sizes = [9, 8, 2048], strides = [1, 1, 1]} : vector<9x16x2048xf32> to vector<9x8x2048xf32>
    %slice3A_227 = vector.extract_strided_slice %mul3A_225 {offsets = [0, 8, 0], sizes = [9, 8, 2048], strides = [1, 1, 1]} : vector<9x16x2048xf32> to vector<9x8x2048xf32>
    %add3A_228 = arith.addf %slice3A_226, %slice3A_227 : vector<9x8x2048xf32>
    %reshape3A_229 = vector.shape_cast %add3A_228 : vector<9x8x2048xf32> to vector<72x2048xf32>
    %convert_element_type3A_230 = arith.truncf %reshape3A_229 : vector<72x2048xf32> to vector<72x2048xbf16>
    %swap3A_231 = arith.constant 2240 : index
    %swap3A_232 = arith.constant 0 : index
    %swap3A_233 = vector.load %arg8[%swap3A_231, %swap3A_232] : memref<2600x2048xbf16, #tpu.memory_space<vmem>>, vector<72x2048xbf16>
    tpu.vector_store %arg8[%swap3A_231, %swap3A_232], %convert_element_type3A_230 {strides = array<i32>} : memref<2600x2048xbf16, #tpu.memory_space<vmem>>, vector<72x2048xbf16>,
    %slice3A_234 = vector.extract_strided_slice %get3A_1 {offsets = [272, 0], sizes = [16, 2048], strides = [1, 1]} : vector<416x2048xf32> to vector<16x2048xf32>
    %slice3A_235 = vector.extract_strided_slice %get3A_1 {offsets = [288, 0], sizes = [128, 2048], strides = [1, 1]} : vector<416x2048xf32> to vector<128x2048xf32>
    %reshape3A_236 = vector.shape_cast %slice3A_235 : vector<128x2048xf32> to vector<8x16x2048xf32>
    %broadcast_in_dim3A_237 = vector.shape_cast %slice3A_234 : vector<16x2048xf32> to vector<1x16x2048xf32>
    %mul3A_238 = vector.broadcast %broadcast_in_dim3A_237 : vector<1x16x2048xf32> to vector<8x16x2048xf32>
    %mul3A_239 = arith.mulf %reshape3A_236, %mul3A_238 : vector<8x16x2048xf32>
    %slice3A_240 = vector.extract_strided_slice %mul3A_239 {offsets = [0, 0, 0], sizes = [8, 8, 2048], strides = [1, 1, 1]} : vector<8x16x2048xf32> to vector<8x8x2048xf32>
    %slice3A_241 = vector.extract_strided_slice %mul3A_239 {offsets = [0, 8, 0], sizes = [8, 8, 2048], strides = [1, 1, 1]} : vector<8x16x2048xf32> to vector<8x8x2048xf32>
    %add3A_242 = arith.addf %slice3A_240, %slice3A_241 : vector<8x8x2048xf32>
    %reshape3A_243 = vector.shape_cast %add3A_242 : vector<8x8x2048xf32> to vector<64x2048xf32>
    %convert_element_type3A_244 = arith.truncf %reshape3A_243 : vector<64x2048xf32> to vector<64x2048xbf16>
    %swap3A_245 = arith.constant 2312 : index
    %swap3A_246 = arith.constant 0 : index
    %swap3A_247 = vector.load %arg8[%swap3A_245, %swap3A_246] : memref<2600x2048xbf16, #tpu.memory_space<vmem>>, vector<64x2048xbf16>
    tpu.vector_store %arg8[%swap3A_245, %swap3A_246], %convert_element_type3A_244 {strides = array<i32>} : memref<2600x2048xbf16, #tpu.memory_space<vmem>>, vector<64x2048xbf16>,
    %slice3A_248 = vector.extract_strided_slice %get3A_1 {offsets = [288, 0], sizes = [16, 2048], strides = [1, 1]} : vector<416x2048xf32> to vector<16x2048xf32>
    %slice3A_249 = vector.extract_strided_slice %get3A_1 {offsets = [304, 0], sizes = [112, 2048], strides = [1, 1]} : vector<416x2048xf32> to vector<112x2048xf32>
    %reshape3A_250 = vector.shape_cast %slice3A_249 : vector<112x2048xf32> to vector<7x16x2048xf32>
    %broadcast_in_dim3A_251 = vector.shape_cast %slice3A_248 : vector<16x2048xf32> to vector<1x16x2048xf32>
    %mul3A_252 = vector.broadcast %broadcast_in_dim3A_251 : vector<1x16x2048xf32> to vector<7x16x2048xf32>
    %mul3A_253 = arith.mulf %reshape3A_250, %mul3A_252 : vector<7x16x2048xf32>
    %slice3A_254 = vector.extract_strided_slice %mul3A_253 {offsets = [0, 0, 0], sizes = [7, 8, 2048], strides = [1, 1, 1]} : vector<7x16x2048xf32> to vector<7x8x2048xf32>
    %slice3A_255 = vector.extract_strided_slice %mul3A_253 {offsets = [0, 8, 0], sizes = [7, 8, 2048], strides = [1, 1, 1]} : vector<7x16x2048xf32> to vector<7x8x2048xf32>
    %add3A_256 = arith.addf %slice3A_254, %slice3A_255 : vector<7x8x2048xf32>
    %reshape3A_257 = vector.shape_cast %add3A_256 : vector<7x8x2048xf32> to vector<56x2048xf32>
    %convert_element_type3A_258 = arith.truncf %reshape3A_257 : vector<56x2048xf32> to vector<56x2048xbf16>
    %swap3A_259 = arith.constant 2376 : index
    %swap3A_260 = arith.constant 0 : index
    %swap3A_261 = vector.load %arg8[%swap3A_259, %swap3A_260] : memref<2600x2048xbf16, #tpu.memory_space<vmem>>, vector<56x2048xbf16>
    tpu.vector_store %arg8[%swap3A_259, %swap3A_260], %convert_element_type3A_258 {strides = array<i32>} : memref<2600x2048xbf16, #tpu.memory_space<vmem>>, vector<56x2048xbf16>,
    %slice3A_262 = vector.extract_strided_slice %get3A_1 {offsets = [304, 0], sizes = [16, 2048], strides = [1, 1]} : vector<416x2048xf32> to vector<16x2048xf32>
    %slice3A_263 = vector.extract_strided_slice %get3A_1 {offsets = [320, 0], sizes = [96, 2048], strides = [1, 1]} : vector<416x2048xf32> to vector<96x2048xf32>
    %reshape3A_264 = vector.shape_cast %slice3A_263 : vector<96x2048xf32> to vector<6x16x2048xf32>
    %broadcast_in_dim3A_265 = vector.shape_cast %slice3A_262 : vector<16x2048xf32> to vector<1x16x2048xf32>
    %mul3A_266 = vector.broadcast %broadcast_in_dim3A_265 : vector<1x16x2048xf32> to vector<6x16x2048xf32>
    %mul3A_267 = arith.mulf %reshape3A_264, %mul3A_266 : vector<6x16x2048xf32>
    %slice3A_268 = vector.extract_strided_slice %mul3A_267 {offsets = [0, 0, 0], sizes = [6, 8, 2048], strides = [1, 1, 1]} : vector<6x16x2048xf32> to vector<6x8x2048xf32>
    %slice3A_269 = vector.extract_strided_slice %mul3A_267 {offsets = [0, 8, 0], sizes = [6, 8, 2048], strides = [1, 1, 1]} : vector<6x16x2048xf32> to vector<6x8x2048xf32>
    %add3A_270 = arith.addf %slice3A_268, %slice3A_269 : vector<6x8x2048xf32>
    %reshape3A_271 = vector.shape_cast %add3A_270 : vector<6x8x2048xf32> to vector<48x2048xf32>
    %convert_element_type3A_272 = arith.truncf %reshape3A_271 : vector<48x2048xf32> to vector<48x2048xbf16>
    %swap3A_273 = arith.constant 2432 : index
    %swap3A_274 = arith.constant 0 : index
    %swap3A_275 = vector.load %arg8[%swap3A_273, %swap3A_274] : memref<2600x2048xbf16, #tpu.memory_space<vmem>>, vector<48x2048xbf16>
    tpu.vector_store %arg8[%swap3A_273, %swap3A_274], %convert_element_type3A_272 {strides = array<i32>} : memref<2600x2048xbf16, #tpu.memory_space<vmem>>, vector<48x2048xbf16>,
    %slice3A_276 = vector.extract_strided_slice %get3A_1 {offsets = [320, 0], sizes = [16, 2048], strides = [1, 1]} : vector<416x2048xf32> to vector<16x2048xf32>
    %slice3A_277 = vector.extract_strided_slice %get3A_1 {offsets = [336, 0], sizes = [80, 2048], strides = [1, 1]} : vector<416x2048xf32> to vector<80x2048xf32>
    %reshape3A_278 = vector.shape_cast %slice3A_277 : vector<80x2048xf32> to vector<5x16x2048xf32>
    %broadcast_in_dim3A_279 = vector.shape_cast %slice3A_276 : vector<16x2048xf32> to vector<1x16x2048xf32>
    %mul3A_280 = vector.broadcast %broadcast_in_dim3A_279 : vector<1x16x2048xf32> to vector<5x16x2048xf32>
    %mul3A_281 = arith.mulf %reshape3A_278, %mul3A_280 : vector<5x16x2048xf32>
    %slice3A_282 = vector.extract_strided_slice %mul3A_281 {offsets = [0, 0, 0], sizes = [5, 8, 2048], strides = [1, 1, 1]} : vector<5x16x2048xf32> to vector<5x8x2048xf32>
    %slice3A_283 = vector.extract_strided_slice %mul3A_281 {offsets = [0, 8, 0], sizes = [5, 8, 2048], strides = [1, 1, 1]} : vector<5x16x2048xf32> to vector<5x8x2048xf32>
    %add3A_284 = arith.addf %slice3A_282, %slice3A_283 : vector<5x8x2048xf32>
    %reshape3A_285 = vector.shape_cast %add3A_284 : vector<5x8x2048xf32> to vector<40x2048xf32>
    %convert_element_type3A_286 = arith.truncf %reshape3A_285 : vector<40x2048xf32> to vector<40x2048xbf16>
    %swap3A_287 = arith.constant 2480 : index
    %swap3A_288 = arith.constant 0 : index
    %swap3A_289 = vector.load %arg8[%swap3A_287, %swap3A_288] : memref<2600x2048xbf16, #tpu.memory_space<vmem>>, vector<40x2048xbf16>
    tpu.vector_store %arg8[%swap3A_287, %swap3A_288], %convert_element_type3A_286 {strides = array<i32>} : memref<2600x2048xbf16, #tpu.memory_space<vmem>>, vector<40x2048xbf16>,
    %slice3A_290 = vector.extract_strided_slice %get3A_1 {offsets = [336, 0], sizes = [16, 2048], strides = [1, 1]} : vector<416x2048xf32> to vector<16x2048xf32>
    %slice3A_291 = vector.extract_strided_slice %get3A_1 {offsets = [352, 0], sizes = [64, 2048], strides = [1, 1]} : vector<416x2048xf32> to vector<64x2048xf32>
    %reshape3A_292 = vector.shape_cast %slice3A_291 : vector<64x2048xf32> to vector<4x16x2048xf32>
    %broadcast_in_dim3A_293 = vector.shape_cast %slice3A_290 : vector<16x2048xf32> to vector<1x16x2048xf32>
    %mul3A_294 = vector.broadcast %broadcast_in_dim3A_293 : vector<1x16x2048xf32> to vector<4x16x2048xf32>
    %mul3A_295 = arith.mulf %reshape3A_292, %mul3A_294 : vector<4x16x2048xf32>
    %slice3A_296 = vector.extract_strided_slice %mul3A_295 {offsets = [0, 0, 0], sizes = [4, 8, 2048], strides = [1, 1, 1]} : vector<4x16x2048xf32> to vector<4x8x2048xf32>
    %slice3A_297 = vector.extract_strided_slice %mul3A_295 {offsets = [0, 8, 0], sizes = [4, 8, 2048], strides = [1, 1, 1]} : vector<4x16x2048xf32> to vector<4x8x2048xf32>
    %add3A_298 = arith.addf %slice3A_296, %slice3A_297 : vector<4x8x2048xf32>
    %reshape3A_299 = vector.shape_cast %add3A_298 : vector<4x8x2048xf32> to vector<32x2048xf32>
    %convert_element_type3A_300 = arith.truncf %reshape3A_299 : vector<32x2048xf32> to vector<32x2048xbf16>
    %swap3A_301 = arith.constant 2520 : index
    %swap3A_302 = arith.constant 0 : index
    %swap3A_303 = vector.load %arg8[%swap3A_301, %swap3A_302] : memref<2600x2048xbf16, #tpu.memory_space<vmem>>, vector<32x2048xbf16>
    tpu.vector_store %arg8[%swap3A_301, %swap3A_302], %convert_element_type3A_300 {strides = array<i32>} : memref<2600x2048xbf16, #tpu.memory_space<vmem>>, vector<32x2048xbf16>,
    %slice3A_304 = vector.extract_strided_slice %get3A_1 {offsets = [352, 0], sizes = [16, 2048], strides = [1, 1]} : vector<416x2048xf32> to vector<16x2048xf32>
    %slice3A_305 = vector.extract_strided_slice %get3A_1 {offsets = [368, 0], sizes = [48, 2048], strides = [1, 1]} : vector<416x2048xf32> to vector<48x2048xf32>
    %reshape3A_306 = vector.shape_cast %slice3A_305 : vector<48x2048xf32> to vector<3x16x2048xf32>
    %broadcast_in_dim3A_307 = vector.shape_cast %slice3A_304 : vector<16x2048xf32> to vector<1x16x2048xf32>
    %mul3A_308 = vector.broadcast %broadcast_in_dim3A_307 : vector<1x16x2048xf32> to vector<3x16x2048xf32>
    %mul3A_309 = arith.mulf %reshape3A_306, %mul3A_308 : vector<3x16x2048xf32>
    %slice3A_310 = vector.extract_strided_slice %mul3A_309 {offsets = [0, 0, 0], sizes = [3, 8, 2048], strides = [1, 1, 1]} : vector<3x16x2048xf32> to vector<3x8x2048xf32>
    %slice3A_311 = vector.extract_strided_slice %mul3A_309 {offsets = [0, 8, 0], sizes = [3, 8, 2048], strides = [1, 1, 1]} : vector<3x16x2048xf32> to vector<3x8x2048xf32>
    %add3A_312 = arith.addf %slice3A_310, %slice3A_311 : vector<3x8x2048xf32>
    %reshape3A_313 = vector.shape_cast %add3A_312 : vector<3x8x2048xf32> to vector<24x2048xf32>
    %convert_element_type3A_314 = arith.truncf %reshape3A_313 : vector<24x2048xf32> to vector<24x2048xbf16>
    %swap3A_315 = arith.constant 2552 : index
    %swap3A_316 = arith.constant 0 : index
    %swap3A_317 = vector.load %arg8[%swap3A_315, %swap3A_316] : memref<2600x2048xbf16, #tpu.memory_space<vmem>>, vector<24x2048xbf16>
    tpu.vector_store %arg8[%swap3A_315, %swap3A_316], %convert_element_type3A_314 {strides = array<i32>} : memref<2600x2048xbf16, #tpu.memory_space<vmem>>, vector<24x2048xbf16>,
    %slice3A_318 = vector.extract_strided_slice %get3A_1 {offsets = [368, 0], sizes = [16, 2048], strides = [1, 1]} : vector<416x2048xf32> to vector<16x2048xf32>
    %slice3A_319 = vector.extract_strided_slice %get3A_1 {offsets = [384, 0], sizes = [32, 2048], strides = [1, 1]} : vector<416x2048xf32> to vector<32x2048xf32>
    %reshape3A_320 = vector.shape_cast %slice3A_319 : vector<32x2048xf32> to vector<2x16x2048xf32>
    %broadcast_in_dim3A_321 = vector.shape_cast %slice3A_318 : vector<16x2048xf32> to vector<1x16x2048xf32>
    %mul3A_322 = vector.broadcast %broadcast_in_dim3A_321 : vector<1x16x2048xf32> to vector<2x16x2048xf32>
    %mul3A_323 = arith.mulf %reshape3A_320, %mul3A_322 : vector<2x16x2048xf32>
    %slice3A_324 = vector.extract_strided_slice %mul3A_323 {offsets = [0, 0, 0], sizes = [2, 8, 2048], strides = [1, 1, 1]} : vector<2x16x2048xf32> to vector<2x8x2048xf32>
    %slice3A_325 = vector.extract_strided_slice %mul3A_323 {offsets = [0, 8, 0], sizes = [2, 8, 2048], strides = [1, 1, 1]} : vector<2x16x2048xf32> to vector<2x8x2048xf32>
    %add3A_326 = arith.addf %slice3A_324, %slice3A_325 : vector<2x8x2048xf32>
    %reshape3A_327 = vector.shape_cast %add3A_326 : vector<2x8x2048xf32> to vector<16x2048xf32>
    %convert_element_type3A_328 = arith.truncf %reshape3A_327 : vector<16x2048xf32> to vector<16x2048xbf16>
    %swap3A_329 = arith.constant 2576 : index
    %swap3A_330 = arith.constant 0 : index
    %swap3A_331 = vector.load %arg8[%swap3A_329, %swap3A_330] : memref<2600x2048xbf16, #tpu.memory_space<vmem>>, vector<16x2048xbf16>
    tpu.vector_store %arg8[%swap3A_329, %swap3A_330], %convert_element_type3A_328 {strides = array<i32>} : memref<2600x2048xbf16, #tpu.memory_space<vmem>>, vector<16x2048xbf16>,
    %slice3A_332 = vector.extract_strided_slice %get3A_1 {offsets = [384, 0], sizes = [16, 2048], strides = [1, 1]} : vector<416x2048xf32> to vector<16x2048xf32>
    %slice3A_333 = vector.extract_strided_slice %get3A_1 {offsets = [400, 0], sizes = [16, 2048], strides = [1, 1]} : vector<416x2048xf32> to vector<16x2048xf32>
    %reshape3A_334 = vector.shape_cast %slice3A_333 : vector<16x2048xf32> to vector<1x16x2048xf32>
    %broadcast_in_dim3A_335 = vector.shape_cast %slice3A_332 : vector<16x2048xf32> to vector<1x16x2048xf32>
    %mul3A_336 = arith.mulf %reshape3A_334, %broadcast_in_dim3A_335 : vector<1x16x2048xf32>
    %slice3A_337 = vector.extract_strided_slice %mul3A_336 {offsets = [0, 0, 0], sizes = [1, 8, 2048], strides = [1, 1, 1]} : vector<1x16x2048xf32> to vector<1x8x2048xf32>
    %slice3A_338 = vector.extract_strided_slice %mul3A_336 {offsets = [0, 8, 0], sizes = [1, 8, 2048], strides = [1, 1, 1]} : vector<1x16x2048xf32> to vector<1x8x2048xf32>
    %add3A_339 = arith.addf %slice3A_337, %slice3A_338 : vector<1x8x2048xf32>
    %reshape3A_340 = vector.shape_cast %add3A_339 : vector<1x8x2048xf32> to vector<8x2048xf32>
    %convert_element_type3A_341 = arith.truncf %reshape3A_340 : vector<8x2048xf32> to vector<8x2048xbf16>
    %swap3A_342 = arith.constant 2592 : index
    %swap3A_343 = arith.constant 0 : index
    %swap3A_344 = vector.load %arg8[%swap3A_342, %swap3A_343] : memref<2600x2048xbf16, #tpu.memory_space<vmem>>, vector<8x2048xbf16>
    tpu.vector_store %arg8[%swap3A_342, %swap3A_343], %convert_element_type3A_341 {strides = array<i32>} : memref<2600x2048xbf16, #tpu.memory_space<vmem>>, vector<8x2048xbf16>,
    %get3A_345 = arith.constant 0 : index
    %get3A_346 = arith.constant 0 : index
    %get3A_347 = vector.load %arg2[%get3A_345, %get3A_346] : memref<400x416xbf16, #tpu.memory_space<vmem>>, vector<400x416xbf16>
    %dot_general3A = arith.constant dense<0.000000e+00> : vector<400x2048xf32>
    %dot_general3A_348 = tpu.matmul %get3A_347, %convert_element_type3A, %dot_general3A {dimension_numbers = #tpu.dot_dimension_numbers<[1], [0], [0], [1], [0, 0, 1, 1], [], []>, transpose_lhs_hint = false} : vector<400x416xbf16>, vector<416x2048xbf16>, vector<400x2048xf32> -> vector<400x2048xf32>
    %get3A_349 = arith.constant 0 : index
    %get3A_350 = arith.constant 0 : index
    %get3A_351 = vector.load %arg3[%get3A_349, %get3A_350] : memref<400x2600xbf16, #tpu.memory_space<vmem>>, vector<400x2600xbf16>
    %get3A_352 = arith.constant 0 : index
    %get3A_353 = arith.constant 0 : index
    %get3A_354 = vector.load %arg8[%get3A_352, %get3A_353] : memref<2600x2048xbf16, #tpu.memory_space<vmem>>, vector<2600x2048xbf16>
    %dot_general3A_355 = arith.constant dense<0.000000e+00> : vector<400x2048xf32>
    %dot_general3A_356 = tpu.matmul %get3A_351, %get3A_354, %dot_general3A_355 {dimension_numbers = #tpu.dot_dimension_numbers<[1], [0], [0], [1], [0, 0, 1, 1], [], []>, transpose_lhs_hint = false} : vector<400x2600xbf16>, vector<2600x2048xbf16>, vector<400x2048xf32> -> vector<400x2048xf32>
    %add3A_357 = arith.addf %dot_general3A_348, %dot_general3A_356 : vector<400x2048xf32>
    %get3A_358 = arith.constant 0 : index
    %get3A_359 = arith.constant 0 : index
    %get3A_360 = vector.load %arg4[%get3A_358, %get3A_359] : memref<400x1xf32, #tpu.memory_space<vmem>>, vector<400x1xf32>
    %add3A_361 = vector.broadcast %get3A_360 : vector<400x1xf32> to vector<400x2048xf32>
    %add3A_362 = arith.addf %add3A_357, %add3A_361 : vector<400x2048xf32>
    %max3A = arith.constant 0.000000e+00 : f32
    %max3A_363 = vector.broadcast %max3A : f32 to vector<400x2048xf32>
    %max3A_364 = arith.maximumf %add3A_362, %max3A_363 : vector<400x2048xf32>
    %get3A_365 = arith.constant 0 : index
    %get3A_366 = arith.constant 0 : index
    %get3A_367 = vector.load %arg5[%get3A_365, %get3A_366] : memref<1x400xf32, #tpu.memory_space<vmem>>, vector<1x400xf32>
    %dot_general3A_368 = arith.constant dense<0.000000e+00> : vector<1x2048xf32>
    %dot_general3A_369 = tpu.matmul %get3A_367, %max3A_364, %dot_general3A_368 {dimension_numbers = #tpu.dot_dimension_numbers<[1], [0], [0], [1], [0, 0, 1, 1], [], []>, transpose_lhs_hint = false} : vector<1x400xf32>, vector<400x2048xf32>, vector<1x2048xf32> -> vector<1x2048xf32>
    %get3A_370 = arith.constant 0 : index
    %get3A_371 = arith.constant 0 : index
    %get3A_372 = vector.load %arg6[%get3A_370, %get3A_371] : memref<1x1xf32, #tpu.memory_space<vmem>>, vector<1x1xf32>
    %add3A_373 = vector.broadcast %get3A_372 : vector<1x1xf32> to vector<1x2048xf32>
    %add3A_374 = arith.addf %dot_general3A_369, %add3A_373 : vector<1x2048xf32>
    %neg3A = arith.constant 0.000000e+00 : f32
    %neg3A_375 = vector.broadcast %neg3A : f32 to vector<1x2048xf32>
    %neg3A_376 = arith.subf %neg3A_375, %add3A_374 : vector<1x2048xf32>
    %exp3A = math.exp %neg3A_376 : vector<1x2048xf32>
    %add3A_377 = arith.constant 1.000000e+00 : f32
    %add3A_378 = vector.broadcast %add3A_377 : f32 to vector<1x2048xf32>
    %add3A_379 = arith.addf %add3A_378, %exp3A : vector<1x2048xf32>
    %div3A = arith.constant 1.000000e+00 : f32
    %div3A_380 = vector.broadcast %div3A : f32 to vector<1x2048xf32>
    %div3A_381 = arith.divf %div3A_380, %add3A_379 : vector<1x2048xf32>
    %reshape3A_382 = vector.shape_cast %div3A_381 : vector<1x2048xf32> to vector<1x1x2048xf32>
    %swap3A_383 = arith.constant 0 : index
    %swap3A_384 = arith.constant 0 : index
    %swap3A_385 = arith.constant 0 : index
    %swap3A_386 = vector.load %arg7[%swap3A_383, %swap3A_384, %swap3A_385] : memref<1x1x2048xf32, #tpu.memory_space<vmem>>, vector<1x1x2048xf32>
    tpu.vector_store %arg7[%swap3A_383, %swap3A_384, %swap3A_385], %reshape3A_382 {strides = array<i32>} : memref<1x1x2048xf32, #tpu.memory_space<vmem>>, vector<1x1x2048xf32>,
    return
  }
  func.func @transform_0(%arg0: i32) -> (i32, i32) {
    %c0_i32 = arith.constant 0 : i32
    %c0_i32_0 = arith.constant 0 : i32
    return %c0_i32, %arg0 : i32, i32
  }
  func.func @transform_1(%arg0: i32) -> (i32, i32) {
    %c0_i32 = arith.constant 0 : i32
    %c0_i32_0 = arith.constant 0 : i32
    %c0_i32_1 = arith.constant 0 : i32
    return %c0_i32, %c0_i32_0 : i32, i32
  }
  func.func @transform_2(%arg0: i32) -> (i32, i32) {
    %c0_i32 = arith.constant 0 : i32
    %c0_i32_0 = arith.constant 0 : i32
    %c0_i32_1 = arith.constant 0 : i32
    return %c0_i32, %c0_i32_0 : i32, i32
  }
  func.func @transform_3(%arg0: i32) -> (i32, i32) {
    %c0_i32 = arith.constant 0 : i32
    %c0_i32_0 = arith.constant 0 : i32
    %c0_i32_1 = arith.constant 0 : i32
    return %c0_i32, %c0_i32_0 : i32, i32
  }
  func.func @transform_4(%arg0: i32) -> (i32, i32) {
    %c0_i32 = arith.constant 0 : i32
    %c0_i32_0 = arith.constant 0 : i32
    %c0_i32_1 = arith.constant 0 : i32
    return %c0_i32, %c0_i32_0 : i32, i32
  }
  func.func @transform_5(%arg0: i32) -> (i32, i32) {
    %c0_i32 = arith.constant 0 : i32
    %c0_i32_0 = arith.constant 0 : i32
    %c0_i32_1 = arith.constant 0 : i32
    return %c0_i32, %c0_i32_0 : i32, i32
  }
  func.func @transform_6(%arg0: i32) -> (i32, i32, i32) {
    %c0_i32 = arith.constant 0 : i32
    %c0_i32_0 = arith.constant 0 : i32
    %c0_i32_1 = arith.constant 0 : i32
    return %arg0, %c0_i32, %c0_i32_0 : i32, i32, i32
  }
}

</mosaic_0001>

<sc_bundles>
// kernel: kernel.4.cloned.1.call-start
scs
__scs_entry_jumppad:
0x0: {  	(pc) =	sbr.rel $0x88, $3  }
0x1: {  	(tag) =	ssettag $0x0;
	lr =	simm.s32 $0x1  }
0x2: {  	[smem:$0x3F9B] =	sst lr;
	_ =	strace $0xD0000000  }
0x3: {  	_ = 	snop  }
0x4: {  	_ = 	snop  }
0x5: {  	_ = 	snop  }
0x6: {  	_ = 	snop  }
0x7: {  	_ = 	snop  }
__scs_overlays_trampoline_lowered:
0x8: {  	[smem:$0x3FAA] =	sst s0  }
0x9: {  	[smem:$0x3FAB] =	sst s1  }
0xa: {  	[smem:$0x3FAC] =	sst s2  }
0xb: {  	[smem:$0x3FAD] =	sst s3  }
0xc: {  	[smem:$0x3FAE] =	sst s4  }
0xd: {  	[smem:$0x3FAF] =	sst s5  }
0xe: {  	[smem:$0x3FB0] =	sst s6  }
0xf: {  	[smem:$0x3FB1] =	sst s7  }
0x10: {  	[smem:$0x3FB2] =	sst s8  }
0x11: {  	[smem:$0x3FB3] =	sst s9;
	s0 =	simm.s32 @!p0 $0x0  }
0x12: {  	s1 =	sld [smem:$0x3F99];
	s0 =	simm.s32 @p0 $0x1  }
0x13: {  	[smem:$0x3FB4] =	sst s0;
	s0 =	simm.s32 @!p1 $0x0  }
0x14: {  	s2 =	sld [smem:$0x3F98];
	s0 =	simm.s32 @p1 $0x1  }
0x15: {  	[smem:$0x3FB5] =	sst s0;
	s0 =	simm.s32 @!p2 $0x0  }
0x16: {  	s3 =	sld [smem:$0x3FDB];
	s0 =	simm.s32 @p2 $0x1  }
0x17: {  	s4 =	simm.s32 $0x1BF5;
	[smem:$0x3FB7] =	sst s0  }
0x18: {  	s0 =	sld [smem:$0x3F9A];
	_ =	swait.ge [sflag:s4], $0x0  }
0x19: {  	s7 =	sld [smem:$0x3F9B]  }
0x1a: {  	s8 =	sadd.s32 $0xFFFFE003, lr  }
0x1b: {  	s9 =	sadd.s32 $0xFFFFFEF7, lr;
	s5 =	simm.s32 $0xFFFFFFFF;
	p2 =	slt.u32 s8, $0xFFFFF086  }
0x1c: {  	p1 =	slt.u32 s9, $0xF7A;
	s5 =	simm.s32 @!p2 $0x0  }
0x1d: {  	s5 =	simm.s32 @p1 $0x1;
	p0 =	seq.s32 s7, s2  }
0x1e: {  	s7 =	smul.u32 @!p0 $0xF7A, s2;
	p2 =	seq.s32 @!p0 s5, $0x0  }
0x1f: {  	s9 =	smul.u32 $0xF7A, s1;
	s8 =	simm.s32 @!p0 $0x1BF5;
	p2 =	por !p2, p0  }
0x20: {  	[sflag:s8] =	ssyncset.s32 @!p0 $0xFFFFF086;
	s6 =	sadd.s32 @!p0 s3, s7;
	s7 =	simm.s32 @!p0 $0x108  }
0x21: {  	s3 =	sadd.s32 s3, s9;
	s6 =	sadd.s32 @!p0 $0x88, s6;
	s7 =	simm.s32 @p2 $0x1082  }
0x22: {  	[simem:s7], [sflag:s8] =	dma.local @!p0 [hbm:s6], $0xF7A  }
0x23: {  	s9 =	sor.u32 $0xD0000000, s2;
	s6 =	simm.s32 $0x108;
	_ =	swait.ge @!p0 [sflag:s8], $0x0  }
0x24: {  	s3 =	sadd.s32 $0x88, s3;
	s6 =	simm.s32 @!p1 $0x1082;
	[sflag:s4] =	ssyncset.s32 $0xFFFFF086  }
0x25: {  	[simem:s6], [sflag:s4] =	dma.local [hbm:s3], $0xF7A  }
0x26: {  	[smem:$0x3F9B] =	sst s1;
	(tag) =	ssettag s2;
	_ =	strace s9  }
0x27: {  	s1 =	sld [smem:$0x3FAB]  }
0x28: {  	s2 =	sld [smem:$0x3FAC]  }
0x29: {  	s4 =	sld [smem:$0x3FAE]  }
0x2a: {  	p0 =	seq.s32 s5, $0x0;
	s5 =	sld [smem:$0x3FAF]  }
0x2b: {  	s6 =	sld [smem:$0x3FB0]  }
0x2c: {  	s7 =	sld [smem:$0x3FB1]  }
0x2d: {  	s3 =	simm.s32 $0x108;
	s8 =	sld [smem:$0x3FB2]  }
0x2e: {  	s3 =	simm.s32 @!p0 $0x1082;
	s9 =	sld [smem:$0x3FB3]  }
0x2f: {  	lr =	sadd.s32 s0, s3;
	s0 =	sld [smem:$0x3FAA]  }
0x30: {  	s3 =	sld [smem:$0x3FAD]  }
0x31: {  	[smem:$0x3FB6] =	sst s10  }
0x32: {  	s10 =	sld [smem:$0x3FB4];
	_ =	sdelay $0x3  }
0x33: {  	p0 =	seq.s32 s10, $0x1;
	s10 =	sld [smem:$0x3FB6];
	_ =	sdelay $0x3  }
0x34: {  	[smem:$0x3FB6] =	sst s10  }
0x35: {  	s10 =	sld [smem:$0x3FB5];
	_ =	sdelay $0x3  }
0x36: {  	p1 =	seq.s32 s10, $0x1;
	s10 =	sld [smem:$0x3FB6];
	_ =	sdelay $0x3  }
0x37: {  	[smem:$0x3FB6] =	sst s10  }
0x38: {  	s10 =	sld [smem:$0x3FB7]  }
0x39: {  	_ = 	snop;
	(pc) =	sbr.ind lr, $3  }
0x3a: {  	_ = 	snop  }
0x3b: {  	_ = 	snop  }
0x3c: {  	p2 =	seq.s32 s10, $0x1;
	s10 =	sld [smem:$0x3FB6]  }
0x3d: {  	_ =	shalt  }
0x3e: {  	_ =	shalt  }
0x3f: {  	_ =	shalt  }
0x40: {  	_ =	shalt  }
0x41: {  	_ =	shalt  }
0x42: {  	_ =	shalt  }
0x43: {  	_ =	shalt  }
0x44: {  	_ =	shalt  }
0x45: {  	_ =	shalt  }
0x46: {  	_ =	shalt  }
0x47: {  	_ =	shalt  }
0x48: {  	_ =	shalt  }
0x49: {  	_ =	shalt  }
0x4a: {  	_ =	shalt  }
0x4b: {  	_ =	shalt  }
0x4c: {  	_ =	shalt  }
0x4d: {  	_ =	shalt  }
0x4e: {  	_ =	shalt  }
0x4f: {  	_ =	shalt  }
0x50: {  	_ =	shalt  }
0x51: {  	_ =	shalt  }
0x52: {  	_ =	shalt  }
0x53: {  	_ =	shalt  }
0x54: {  	_ =	shalt  }
0x55: {  	_ =	shalt  }
0x56: {  	_ =	shalt  }
0x57: {  	_ =	shalt  }
0x58: {  	_ =	shalt  }
0x59: {  	_ =	shalt  }
0x5a: {  	_ =	shalt  }
0x5b: {  	_ =	shalt  }
0x5c: {  	_ =	shalt  }
0x5d: {  	_ =	shalt  }
0x5e: {  	_ =	shalt  }
0x5f: {  	_ =	shalt  }
0x60: {  	_ =	shalt  }
0x61: {  	_ =	shalt  }
0x62: {  	_ =	shalt  }
0x63: {  	_ =	shalt  }
0x64: {  	_ =	shalt  }
0x65: {  	_ =	shalt  }
0x66: {  	_ =	shalt  }
0x67: {  	_ =	shalt  }
0x68: {  	_ =	shalt  }
0x69: {  	_ =	shalt  }
0x6a: {  	_ =	shalt  }
0x6b: {  	_ =	shalt  }
0x6c: {  	_ =	shalt  }
0x6d: {  	_ =	shalt  }
0x6e: {  	_ =	shalt  }
0x6f: {  	_ =	shalt  }
0x70: {  	_ =	shalt  }
0x71: {  	_ =	shalt  }
0x72: {  	_ =	shalt  }
0x73: {  	_ =	shalt  }
0x74: {  	_ =	shalt  }
0x75: {  	_ =	shalt  }
0x76: {  	_ =	shalt  }
0x77: {  	_ =	shalt  }
0x78: {  	_ =	shalt  }
0x79: {  	_ =	shalt  }
0x7a: {  	_ =	shalt  }
0x7b: {  	_ =	shalt  }
0x7c: {  	_ =	shalt  }
0x7d: {  	_ =	shalt  }
0x7e: {  	_ =	shalt  }
0x7f: {  	_ =	shalt  }
0x80: {  	_ =	shalt  }
0x81: {  	_ =	shalt  }
0x82: {  	_ =	shalt  }
0x83: {  	_ =	shalt  }
0x84: {  	_ =	shalt  }
0x85: {  	_ =	shalt  }
0x86: {  	_ =	shalt  }
0x87: {  	_ =	shalt  }
.Lfunc_end0:
.L_simem_size_0:
called_computation_lowered:
.L_overlay_start_0:
0x88: {  	s2 =	sld [smem:$0x3FD9]  }
0x89: {  	s3 =	sld [smem:$0x3FFE];
	_ =	sdelay $0x1  }
0x8a: {  	s1 =	srdreg.scid  }
0x8b: {  	s0 =	sand.u32 $0x1, s1  }
0x8c: {  	s17 =	sshll.u32 s0, $0xA;
	s2 =	sadd.s32 s3, s2  }
0x8d: {  	s2 =	sadd.s32 s2, s17  }
0x8e: {  	[smem:$0x3FC2] =	sst s2  }
0x8f: {  	_ = 	snop  }
0x90: {  	s2 =	sld [smem:$0x3FC9]  }
0x91: {  	s18 =	sld [smem:$0x3FC8];
	(tm) =	ssettm $0x1  }
0x92: {  	s4 =	sld [smem:$0x3FFB];
	_ =	sdelay $0x3  }
0x93: {  	_ =	strace s4  }
0x94: {  	s4 =	sld [smem:$0x3FFC];
	_ =	sdelay $0x3  }
0x95: {  	_ =	strace s4  }
0x96: {  	s4 =	sld [smem:$0x3FFD];
	_ =	sdelay $0x3  }
0x97: {  	_ =	strace s4  }
0x98: {  	_ =	strace $0x8FFFFFFF  }
0x99: {  	s19 =	sld [smem:$0x3FDB];
	_ =	sdelay $0x1  }
0x9a: {  	s5 =	simm.s32 $_scs_section_size  }
0x9b: {  	s6 =	simm.s32 $_size__tile_overlayer_lowered;
	s7 =	simm.s32 $_tile_overlayer_lowered  }
0x9c: {  	s22 =	simm.s32 $0x1BFF;
	s21 =	sshll.u32 s7, $0x1;
	s4 =	sadd.s32 s5, s19  }
0x9d: {  	s8 =	simm.s32 $0x0;
	s20 =	sshll.u32 s6, $0x1;
	s6 =	sadd.s32 s21, s4  }
0x9e: {  	[timem:s8], [sflag:s22] =	dma.local [hbm:s6], s20  }
0x9f: {  	_ =	swait.ge [sflag:s22], s20  }
0xa0: {  	s5 =	ssub.s32 $0x0, s20;
	[sflag:s22] =	ssyncset.done $0x0  }
0xa1: {  	[sflag:s22] =	ssyncadd.s32 s5;
	_ =	sdelay $0x1  }
0xa2: {  	s23 =	simm.s32 $0x1B8B  }
0xa3: {  	_ =	swait.ge [sflag:s23], $0x1  }
0xa4: {  	[sflag:s23] =	ssyncset.done $0x0  }
0xa5: {  	s25 =	simm.s32 $0x1B8E;
	s24 =	sld [smem:$0x3FFE];
	[sflag:s23] =	ssyncadd.s32 $0xFFFFFFFF  }
0xa6: {  	s26 =	simm.s32 $execute0_lowered;
	[smem:$0x3FD2] =	sst s25  }
0xa7: {  	s6 =	sshll.u32 s26, $0x1;
	_ =	strace $0x80000046;
	[dreg:$0x1] =	wrdreg $0xFFFFFFFF  }
0xa8: {  	s28 =	simm.s32 $_size_execute0_lowered;
	s4 =	sadd.s32 s4, s6;
	[dreg:$0x0] =	wrdreg $0x0  }
0xa9: {  	s6 =	sshll.u32 s28, $0x1;
	[dreg:$0x2] =	wrdreg s4  }
0xaa: {  	[dreg:$0x3] =	wrdreg s6  }
0xab: {  	[dreg:$0x4] =	wrdreg $0xC0  }
0xac: {  	_ =	task [dreg:s8], $0x5FFFF  }
0xad: {  	[dreg:$0x1] =	wrdreg $0xFFFFFFFF  }
0xae: {  	[dreg:$0x0] =	wrdreg $0x60  }
0xaf: {  	[dreg:$0x2] =	wrdreg s18  }
0xb0: {  	[dreg:$0x3] =	wrdreg s24  }
0xb1: {  	[dreg:$0x4] =	wrdreg s2  }
0xb2: {  	[dreg:$0x5] =	wrdreg $0x9  }
0xb3: {  	_ =	task.clear_ibuf [dreg:s8], $0x6FFFF;
	_ =	strace $0x90000046  }
0xb4: {  	s29 =	simm.s32 $0x9;
	_ =	strace $0x80000048  }
0xb5: {  	_ =	swait.ge [sflag:s29], $0x1  }
0xb6: {  	[sflag:s29] =	ssyncadd.s32 $0xFFFFFFFF  }
0xb7: {  	_ =	strace $0x90000048  }
0xb8: {  	_ =	sfence  }
0xb9: {  	s30 =	sld [smem:$0x0];
	_ =	sdelay $0x2  }
0xba: {  	s31 =	sshll.u32 s1, $0xD;
	s1 =	sshrl.u32 s1, $0x2  }
0xbb: {  	s3 =	sand.u32 $0x4000, s31;
	s1 =	sadd.s32 s1, s30  }
0xbc: {  	s0 =	sor.u32 s3, s0;
	s1 =	sshll.u32 s1, $0x11  }
0xbd: {  	s0 =	sor.u32 s1, s0  }
0xbe: {  	s0 =	sadd.s32 $0x8F2B, s0  }
0xbf: {  	[sflag:s0] =	ssyncadd.remote.s32 $0x1  }
0xc0: {  	_ =	sfence.sel $0xFFFF  }
0xc1: {  	[dreg:$0x0] =	wrdreg $0xFFFFFFFF;
	(pc) =	sbr.abs _section_cstart, $3  }
0xc2: {  	[dreg:$0x1] =	wrdreg $0xFFFFFFFF  }
0xc3: {  	_ =	task.clear_ibuf [dreg:s8], $0x2FFFF;
	_ =	strace $0x9FFFFFFF  }
0xc4: {  	(tm) =	ssettm $0x7FFFFFFF  }
0xc5: {  	_ =	shalt  }
tec
execute0_lowered:
.L_overlay_start_1:
0x0: {  	(tag) =	ssettag $0x1  }
0x1: {  	s1 =	rddreg [dreg:$0x0];
	s0 =	srdreg.scid  }
0x2: {  	s3 =	stileid.u32;
	s2 =	rddreg [dreg:$0x1];
	s19 =	simm.s32 $0x80  }
0x3: {  	s20 =	simm.s32 $0x400;
	s21 =	simm.s32 $0xC300;
	s23 =	simm.s32 $0x19300  }
0x4: {  	s28 =	simm.s32 $0x1;
	s29 =	simm.s32 $0x3;
	s30 =	simm.s32 $0x1A300  }
0x5: {  	s31 =	simm.s32 $0x4;
	s0 =	sand.u32 $0x1, s0;
	s4 =	sshll.u32 s3, $0x1  }
0x6: {  	s3 =	rddreg [dreg:$0x2];
	s14 =	sadd.s32 $0x3400, s2;
	s16 =	sadd.s32 $0x4400, s2  }
0x7: {  	s17 =	sadd.s32 $0x5400, s2;
	s7 =	sor.u32 s0, s4;
	s4 =	simm.s32 $0x0  }
0x8: {  	s0 =	ssub.s32 $0x2, s0;
	s13 =	sadd.s32 $0x2000, s3;
	s5 =	smul.u32 $0xD, s7  }
0x9: {  	s15 =	sadd.s32 $0x3000, s3;
	[smem:$0x7FF] =	sst s4;
	s9 =	smul.u32 $0x280, s7  }
0xa: {  	s12 =	sshrl.u32 s0, $0x1;
	s7 =	smul.u32 $0x680, s7;
	_ =	strace $0x80000047  }
0xb: {  	s0 =	ssub.s32 s0, s12;
	s12 =	sadd.s32 $0x1000, s3;
	s6 =	sand.u32 $0x1F8, s5  }
0xc: {  	s24 =	sshrl.u32 s5, $0x3;
	s9 =	sand.u32 $0x380, s9;
	s25 =	sand.u32 $0x70, s5  }
0xd: {  	s7 =	sand.u32 $0xC000, s7;
	s0 =	smax.u32 s0, $0x1;
	s11 =	smul.u32 $0xC3800, s24  }
0xe: {  	s8 =	smin.u32 s6, $0x188;
	s6 =	sadd.s32 $0x2400, s2;
	[dreg:$0x8] =	wrdreg s0  }
0xf: {  	s24 =	simm.s32 $0x1B300;
	s10 =	sshll.u32 s8, $0x4;
	s9 =	sor.u32 s9, s11  }
0x10: {  	s10 =	sadd.s32 s10, s2;
	s2 =	simm.s32 $0x5;
	s11 =	sshrl.u32 s9, $0x3  }
.Ltmp0:
0x11: {  	s9 =	sadd.s32 $0x61800, s9;
	s26 =	sadd.s32 $0xA00, s10;
	(pc) =	sbr.rel .LBB2_1-.Ltmp0, $4  }
0x12: {  	s11 =	sadd.s32 s1, s11;
	s9 =	sshrl.u32 s9, $0x3;
	[dreg:$0x6] =	wrdreg s26  }
0x13: {  	[dreg:$0x4] =	wrdreg s11;
	s9 =	sadd.s32 s1, s9;
	s11 =	sadd.s32 s3, s25  }
0x14: {  	s25 =	simm.s32 $0x1C300;
	[dreg:$0x5] =	wrdreg s9;
	s7 =	sadd.s32 s7, s11  }
0x15: {  	s9 =	ssub.s32 s5, s8;
	[dreg:$0x7] =	wrdreg s7;
	s7 =	simm.s32 $0x0  }
.LBB2_12:
0x16: {  	_ =	swait.ge [sflag:s31], $0x1000  }
0x17: {  	[sflag:s31] =	ssyncset.done $0x0  }
0x18: {  	[sflag:s31] =	ssyncadd.s32 $0xFFFFF000  }
0x19: {  	_ =	swait.ge [sflag:s2], $0x1000  }
0x1a: {  	s7 =	rddreg [dreg:$0x9]  }
0x1b: {  	s0 =	rddreg [dreg:$0x8];
	s7 =	sadd.s32 $0x1, s7  }
0x1c: {  	p0 =	sne.s32 s7, s0  }
.Ltmp1:
0x1d: {  	_ = 	snop;
	(pc) =	sbr.rel @!p0 .LBB2_13-.Ltmp1, $3  }
0x1e: {  	_ =	sdelay $0x1  }
0x1f: {  	[sflag:s2] =	ssyncset.done $0x0  }
0x20: {  	[sflag:s2] =	ssyncadd.s32 $0xFFFFF000  }
.LBB2_1:
0x21: {  	s0 =	rddreg [dreg:$0x4]  }
0x22: {  	[tilespmem:s4], [sflag:$0x1] =	stream.strided.gather [hbm4b:s0+s19], $0xC300, s20, s19, $0x38;
	[tilespmem:$0x1D300] =	vst v63  }
0x23: {  	s11 =	rddreg [dreg:$0x5]  }
0x24: {  	[tilespmem:s21], [sflag:$0x1] =	stream.strided.gather [hbm4b:s11+s19], $0xC380, s20, s19, $0x38;
	[tilespmem:$0x1D300] =	vst v63  }
0x25: {  	s18 =	rddreg [dreg:$0x6];
	s8 =	simm.s32 $0x18700  }
0x26: {  	[tilespmem:s8], [sflag:$0x2] =	stream.linear.gather [hbm4b:s18+s4], $0xC00, $0x38;
	[tilespmem:$0x1D300] =	vst v63  }
0x27: {  	s22 =	rddreg [dreg:$0x7]  }
0x28: {  	[tilespmem:s23], [sflag:$0x3] =	stream.strided.gather [hbm4b:s22+s19], $0x1000, s20, s19, $0x38;
	[tilespmem:$0x1D300] =	vst v63  }
0x29: {  	_ = 	snop  }
0x2a: {  	[tilespmem:s24], [sflag:$0x4] =	stream.strided.gather [hbm4b:s0+s19], $0x1000, s20, s19, $0x38;
	[tilespmem:$0x1D300] =	vst v63  }
0x2b: {  	[dreg:$0x9] =	wrdreg s7;
	s26 =	simm.s32 $0x2  }
0x2c: {  	[tilespmem:s25], [sflag:$0x5] =	stream.strided.gather [hbm4b:s0+s19], $0x1000, s20, s19, $0x38;
	[tilespmem:$0x1D300] =	vst v63  }
0x2d: {  	_ =	swait.ge [sflag:s26], $0xC00  }
0x2e: {  	[sflag:s26] =	ssyncset.done $0x0  }
0x2f: {  	s22 =	simm.s32 $0x0;
	[sflag:s26] =	ssyncadd.s32 $0xFFFFF400  }
.LBB2_2:
0x30: {  	_ =	swait.ge [sflag:s28], $0xC300  }
0x31: {  	[sflag:s28] =	ssyncset.done $0x0  }
0x32: {  	[sflag:s28] =	ssyncadd.s32 $0xFFFF3D00  }
0x33: {  	s0 =	sadd.s32 s22, s9;
	_ =	swait.ge [sflag:s28], $0xC380  }
0x34: {  	s0 =	sshll.u32 s0, $0x9;
	[sflag:s28] =	ssyncset.done $0x0  }
0x35: {  	s0 =	sshra.s32 s0, $0x2;
	[sflag:s28] =	ssyncadd.s32 $0xFFFF3C80  }
0x36: {  	v0 =	vld [tilespmem:s0+$0x18760];
	_ =	sdelay $0x4  }
0x37: {  	[tilespmem:$0x18680] =	vst v0  }
0x38: {  	v0 =	vld [tilespmem:s0+$0x18770];
	_ =	sdelay $0x3  }
0x39: {  	s10 =	sadd.s32 s5, s22  }
0x3a: {  	s26 =	sshll.u32 s10, $0x7;
	[tilespmem:$0x18690] =	vst v0  }
0x3b: {  	s7 =	sand.u32 $0x70, s10;
	s0 =	sand.u32 $0xFFFC000, s26;
	_ =	swait.ge [sflag:s29], $0x1000  }
0x3c: {  	s11 =	sor.u32 s7, s0;
	[sflag:s29] =	ssyncset.done $0x0  }
0x3d: {  	s0 =	sadd.s32 s11, s12;
	[sflag:s29] =	ssyncadd.s32 $0xFFFFF000  }
0x3e: {  	[tilespmem:s30], [sflag:$0x3] =	stream.strided.gather [hbm4b:s0+s19], $0x1000, s20, s19, $0x38;
	[tilespmem:$0x1D300] =	vst v63  }
0x3f: {  	_ =	swait.ge [sflag:s31], $0x1000  }
0x40: {  	[sflag:s31] =	ssyncset.done $0x0  }
0x41: {  	s7 =	simm.s32 $0x19380;
	[sflag:s31] =	ssyncadd.s32 $0xFFFFF000  }
0x42: {  	v0 =	vld [tilespmem:s7+$0x70]  }
0x43: {  	v1 =	vld [tilespmem:s7+$0xFFFFFF90]  }
0x44: {  	v2 =	vld [tilespmem:s7+$0xFFFFFFA0]  }
0x45: {  	v3 =	vld [tilespmem:s7+$0xFFFFFFB0]  }
0x46: {  	v4 =	vld [tilespmem:s7+$0xFFFFFFC0]  }
0x47: {  	v5 =	vld [tilespmem:s7+$0xFFFFFFD0]  }
0x48: {  	v6 =	vld [tilespmem:s7+$0xFFFFFFE0]  }
0x49: {  	v7 =	vld [tilespmem:s7+$0xFFFFFFF0]  }
0x4a: {  	v8 =	vld [tilespmem:s7+$0x0]  }
0x4b: {  	v9 =	vld [tilespmem:s7+$0x10]  }
0x4c: {  	v10 =	vld [tilespmem:s7+$0x20]  }
0x4d: {  	v11 =	vld [tilespmem:s7+$0x30]  }
0x4e: {  	v12 =	vld [tilespmem:s7+$0x40]  }
0x4f: {  	v13 =	vld [tilespmem:s7+$0x50]  }
0x50: {  	v14 =	vld [tilespmem:s7+$0x60]  }
0x51: {  	v15 =	vld [tilespmem:s7+$0xFFFFFF80]  }
0x52: {  	v0 =	vld.idx.msk [tilespmem:v0+s4+$0x0], $0xffff  }
0x53: {  	v1 =	vld.idx.msk [tilespmem:v1+s4+$0x0], $0xffff  }
0x54: {  	v2 =	vld.idx.msk [tilespmem:v2+s4+$0x0], $0xffff  }
0x55: {  	v3 =	vld.idx.msk [tilespmem:v3+s4+$0x0], $0xffff  }
0x56: {  	v4 =	vld.idx.msk [tilespmem:v4+s4+$0x0], $0xffff  }
0x57: {  	s18 =	simm.s32 $0x1B380;
	v5 =	vld.idx.msk [tilespmem:v5+s4+$0x0], $0xffff  }
0x58: {  	v6 =	vld.idx.msk [tilespmem:v6+s4+$0x0], $0xffff;
	[tilespmem:s18+$0x70] =	vst v0  }
0x59: {  	v7 =	vld.idx.msk [tilespmem:v7+s4+$0x0], $0xffff;
	[tilespmem:s18+$0xFFFFFF90] =	vst v1  }
0x5a: {  	v15 =	vld.idx.msk [tilespmem:v15+s4+$0x0], $0xffff;
	[tilespmem:s18+$0xFFFFFFA0] =	vst v2  }
0x5b: {  	v8 =	vld.idx.msk [tilespmem:v8+s4+$0x0], $0xffff;
	[tilespmem:s18+$0xFFFFFFB0] =	vst v3  }
0x5c: {  	[tilespmem:s18+$0xFFFFFFC0] =	vst v4;
	v0 =	vld.idx.msk [tilespmem:v9+s4+$0x0], $0xffff  }
0x5d: {  	[tilespmem:s18+$0xFFFFFFD0] =	vst v5;
	v1 =	vld.idx.msk [tilespmem:v10+s4+$0x0], $0xffff  }
0x5e: {  	s8 =	sshll.u32 s10, $0x4;
	s26 =	sshll.u32 s10, $0xB;
	[tilespmem:s18+$0xFFFFFFE0] =	vst v6;
	v2 =	vld.idx.msk [tilespmem:v11+s4+$0x0], $0xffff  }
0x5f: {  	s0 =	sand.u32 $0x70, s8;
	s7 =	sand.u32 $0xFFFC000, s26;
	[tilespmem:s18+$0xFFFFFFF0] =	vst v7;
	v3 =	vld.idx.msk [tilespmem:v12+s4+$0x0], $0xffff  }
0x60: {  	s8 =	sor.u32 s0, s7;
	[tilespmem:s18+$0xFFFFFF80] =	vst v15;
	v4 =	vld.idx.msk [tilespmem:v13+s4+$0x0], $0xffff  }
0x61: {  	s7 =	simm.s32 $0x0;
	s0 =	simm.s32 $0x19480;
	s26 =	sadd.s32 s6, s8;
	[tilespmem:s18+$0x0] =	vst v8;
	v5 =	vld.idx.msk [tilespmem:v14+s4+$0x0], $0xffff  }
.LBB2_3:
0x62: {  	v6 =	vld [tilespmem:s0+$0x70];
	s7 =	sadd.s32 $0x10, s7;
	[tilespmem:s18+$0x10] =	vst v0  }
0x63: {  	v0 =	vld [tilespmem:s0+$0xFFFFFF90];
	p0 =	slt.u32 s7, $0xF0;
	[tilespmem:s18+$0x20] =	vst v1  }
0x64: {  	v1 =	vld [tilespmem:s0+$0xFFFFFFA0];
	[tilespmem:s18+$0x30] =	vst v2  }
0x65: {  	v2 =	vld [tilespmem:s0+$0xFFFFFFB0];
	[tilespmem:s18+$0x40] =	vst v3  }
0x66: {  	v3 =	vld [tilespmem:s0+$0xFFFFFFC0];
	[tilespmem:s18+$0x50] =	vst v4  }
0x67: {  	v4 =	vld [tilespmem:s0+$0xFFFFFFD0];
	[tilespmem:s18+$0x60] =	vst v5  }
0x68: {  	v5 =	vld [tilespmem:s0+$0xFFFFFFE0]  }
0x69: {  	v7 =	vld [tilespmem:s0+$0xFFFFFFF0]  }
0x6a: {  	v6 =	vld.idx.msk [tilespmem:v6+s4+$0x0], $0xffff  }
0x6b: {  	v8 =	vld [tilespmem:s0+$0x0]  }
0x6c: {  	v9 =	vld [tilespmem:s0+$0x10]  }
0x6d: {  	v10 =	vld [tilespmem:s0+$0x20]  }
0x6e: {  	v11 =	vld [tilespmem:s0+$0x30]  }
0x6f: {  	s18 =	sadd.s32 $0x100, s18;
	v12 =	vld [tilespmem:s0+$0x40]  }
0x70: {  	v13 =	vld [tilespmem:s0+$0x50];
	[tilespmem:s18+$0x70] =	vst v6  }
0x71: {  	v6 =	vld [tilespmem:s0+$0x60]  }
0x72: {  	v14 =	vld [tilespmem:s0+$0xFFFFFF80]  }
0x73: {  	v0 =	vld.idx.msk [tilespmem:v0+s4+$0x0], $0xffff  }
0x74: {  	v1 =	vld.idx.msk [tilespmem:v1+s4+$0x0], $0xffff  }
0x75: {  	v2 =	vld.idx.msk [tilespmem:v2+s4+$0x0], $0xffff  }
0x76: {  	v3 =	vld.idx.msk [tilespmem:v3+s4+$0x0], $0xffff  }
0x77: {  	v4 =	vld.idx.msk [tilespmem:v4+s4+$0x0], $0xffff  }
0x78: {  	v5 =	vld.idx.msk [tilespmem:v5+s4+$0x0], $0xffff  }
0x79: {  	[tilespmem:s18+$0xFFFFFF90] =	vst v0;
	v7 =	vld.idx.msk [tilespmem:v7+s4+$0x0], $0xffff  }
0x7a: {  	v14 =	vld.idx.msk [tilespmem:v14+s4+$0x0], $0xffff;
	[tilespmem:s18+$0xFFFFFFA0] =	vst v1  }
0x7b: {  	[tilespmem:s18+$0xFFFFFFB0] =	vst v2;
	v8 =	vld.idx.msk [tilespmem:v8+s4+$0x0], $0xffff  }
0x7c: {  	[tilespmem:s18+$0xFFFFFFC0] =	vst v3;
	v0 =	vld.idx.msk [tilespmem:v9+s4+$0x0], $0xffff  }
.Ltmp2:
0x7d: {  	[tilespmem:s18+$0xFFFFFFD0] =	vst v4;
	v1 =	vld.idx.msk [tilespmem:v10+s4+$0x0], $0xffff;
	(pc) =	sbr.rel @p0 .LBB2_3-.Ltmp2, $4  }
0x7e: {  	[tilespmem:s18+$0xFFFFFFE0] =	vst v5;
	v2 =	vld.idx.msk [tilespmem:v11+s4+$0x0], $0xffff  }
0x7f: {  	[tilespmem:s18+$0xFFFFFFF0] =	vst v7;
	v3 =	vld.idx.msk [tilespmem:v12+s4+$0x0], $0xffff  }
0x80: {  	[tilespmem:s18+$0xFFFFFF80] =	vst v14;
	v4 =	vld.idx.msk [tilespmem:v13+s4+$0x0], $0xffff  }
0x81: {  	s0 =	sadd.s32 $0x100, s0;
	[tilespmem:s18+$0x0] =	vst v8;
	v5 =	vld.idx.msk [tilespmem:v6+s4+$0x0], $0xffff  }
0x82: {  	[tilespmem:s18+$0x10] =	vst v0  }
0x83: {  	[tilespmem:s18+$0x20] =	vst v1  }
0x84: {  	[tilespmem:s18+$0x30] =	vst v2  }
0x85: {  	[tilespmem:s18+$0x40] =	vst v3  }
0x86: {  	[tilespmem:s18+$0x50] =	vst v4  }
0x87: {  	[tilespmem:s18+$0x60] =	vst v5  }
0x88: {  	[hbm4b:s26+s19] =	stream.strided.scatter [tilespmem:s24], [sflag:$0x4], $0x1000, s20, s19, $0x38;
	[tilespmem:$0x1D300] =	vst v63  }
0x89: {  	_ =	swait.ge [sflag:s29], $0x1000  }
0x8a: {  	[sflag:s29] =	ssyncset.done $0x0  }
0x8b: {  	s0 =	sadd.s32 s11, s13;
	[sflag:s29] =	ssyncadd.s32 $0xFFFFF000  }
0x8c: {  	[tilespmem:s23], [sflag:$0x3] =	stream.strided.gather [hbm4b:s0+s19], $0x1000, s20, s19, $0x38;
	[tilespmem:$0x1D300] =	vst v63  }
0x8d: {  	_ =	swait.ge [sflag:s2], $0x1000  }
0x8e: {  	[sflag:s2] =	ssyncset.done $0x0  }
0x8f: {  	s26 =	simm.s32 $0x1A380;
	[sflag:s2] =	ssyncadd.s32 $0xFFFFF000  }
0x90: {  	v0 =	vld [tilespmem:s26+$0x70]  }
0x91: {  	v1 =	vld [tilespmem:s26+$0xFFFFFF90]  }
0x92: {  	v2 =	vld [tilespmem:s26+$0xFFFFFFA0]  }
0x93: {  	v3 =	vld [tilespmem:s26+$0xFFFFFFB0]  }
0x94: {  	v4 =	vld [tilespmem:s26+$0xFFFFFFC0]  }
0x95: {  	v5 =	vld [tilespmem:s26+$0xFFFFFFD0]  }
0x96: {  	v6 =	vld [tilespmem:s26+$0xFFFFFFE0]  }
0x97: {  	v7 =	vld [tilespmem:s26+$0xFFFFFFF0]  }
0x98: {  	v8 =	vld [tilespmem:s26+$0x0]  }
0x99: {  	v9 =	vld [tilespmem:s26+$0x10]  }
0x9a: {  	v10 =	vld [tilespmem:s26+$0x20]  }
0x9b: {  	v11 =	vld [tilespmem:s26+$0x30]  }
0x9c: {  	v12 =	vld [tilespmem:s26+$0x40]  }
0x9d: {  	v13 =	vld [tilespmem:s26+$0x50]  }
0x9e: {  	v14 =	vld [tilespmem:s26+$0x60]  }
0x9f: {  	v15 =	vld [tilespmem:s26+$0xFFFFFF80]  }
0xa0: {  	v0 =	vld.idx.msk [tilespmem:v0+s4+$0x0], $0xffff  }
0xa1: {  	v1 =	vld.idx.msk [tilespmem:v1+s4+$0x0], $0xffff  }
0xa2: {  	v2 =	vld.idx.msk [tilespmem:v2+s4+$0x0], $0xffff  }
0xa3: {  	v3 =	vld.idx.msk [tilespmem:v3+s4+$0x0], $0xffff  }
0xa4: {  	v4 =	vld.idx.msk [tilespmem:v4+s4+$0x0], $0xffff  }
0xa5: {  	s18 =	simm.s32 $0x1C380;
	v5 =	vld.idx.msk [tilespmem:v5+s4+$0x0], $0xffff  }
0xa6: {  	v6 =	vld.idx.msk [tilespmem:v6+s4+$0x0], $0xffff;
	[tilespmem:s18+$0x70] =	vst v0  }
0xa7: {  	v7 =	vld.idx.msk [tilespmem:v7+s4+$0x0], $0xffff;
	[tilespmem:s18+$0xFFFFFF90] =	vst v1  }
0xa8: {  	v15 =	vld.idx.msk [tilespmem:v15+s4+$0x0], $0xffff;
	[tilespmem:s18+$0xFFFFFFA0] =	vst v2  }
0xa9: {  	v8 =	vld.idx.msk [tilespmem:v8+s4+$0x0], $0xffff;
	[tilespmem:s18+$0xFFFFFFB0] =	vst v3  }
0xaa: {  	[tilespmem:s18+$0xFFFFFFC0] =	vst v4;
	v0 =	vld.idx.msk [tilespmem:v9+s4+$0x0], $0xffff  }
0xab: {  	[tilespmem:s18+$0xFFFFFFD0] =	vst v5;
	v1 =	vld.idx.msk [tilespmem:v10+s4+$0x0], $0xffff  }
0xac: {  	[tilespmem:s18+$0xFFFFFFE0] =	vst v6;
	v2 =	vld.idx.msk [tilespmem:v11+s4+$0x0], $0xffff  }
0xad: {  	[tilespmem:s18+$0xFFFFFFF0] =	vst v7;
	v3 =	vld.idx.msk [tilespmem:v12+s4+$0x0], $0xffff  }
0xae: {  	[tilespmem:s18+$0xFFFFFF80] =	vst v15;
	v4 =	vld.idx.msk [tilespmem:v13+s4+$0x0], $0xffff  }
0xaf: {  	s7 =	simm.s32 $0x0;
	s0 =	simm.s32 $0x1A480;
	s26 =	sadd.s32 s8, s14;
	[tilespmem:s18+$0x0] =	vst v8;
	v5 =	vld.idx.msk [tilespmem:v14+s4+$0x0], $0xffff  }
.LBB2_5:
0xb0: {  	v6 =	vld [tilespmem:s0+$0x70];
	s7 =	sadd.s32 $0x10, s7;
	[tilespmem:s18+$0x10] =	vst v0  }
0xb1: {  	v0 =	vld [tilespmem:s0+$0xFFFFFF90];
	p0 =	slt.u32 s7, $0xF0;
	[tilespmem:s18+$0x20] =	vst v1  }
0xb2: {  	v1 =	vld [tilespmem:s0+$0xFFFFFFA0];
	[tilespmem:s18+$0x30] =	vst v2  }
0xb3: {  	v2 =	vld [tilespmem:s0+$0xFFFFFFB0];
	[tilespmem:s18+$0x40] =	vst v3  }
0xb4: {  	v3 =	vld [tilespmem:s0+$0xFFFFFFC0];
	[tilespmem:s18+$0x50] =	vst v4  }
0xb5: {  	v4 =	vld [tilespmem:s0+$0xFFFFFFD0];
	[tilespmem:s18+$0x60] =	vst v5  }
0xb6: {  	v5 =	vld [tilespmem:s0+$0xFFFFFFE0]  }
0xb7: {  	v7 =	vld [tilespmem:s0+$0xFFFFFFF0]  }
0xb8: {  	v6 =	vld.idx.msk [tilespmem:v6+s4+$0x0], $0xffff  }
0xb9: {  	v8 =	vld [tilespmem:s0+$0x0]  }
0xba: {  	v9 =	vld [tilespmem:s0+$0x10]  }
0xbb: {  	v10 =	vld [tilespmem:s0+$0x20]  }
0xbc: {  	v11 =	vld [tilespmem:s0+$0x30]  }
0xbd: {  	s18 =	sadd.s32 $0x100, s18;
	v12 =	vld [tilespmem:s0+$0x40]  }
0xbe: {  	v13 =	vld [tilespmem:s0+$0x50];
	[tilespmem:s18+$0x70] =	vst v6  }
0xbf: {  	v6 =	vld [tilespmem:s0+$0x60]  }
0xc0: {  	v14 =	vld [tilespmem:s0+$0xFFFFFF80]  }
0xc1: {  	v0 =	vld.idx.msk [tilespmem:v0+s4+$0x0], $0xffff  }
0xc2: {  	v1 =	vld.idx.msk [tilespmem:v1+s4+$0x0], $0xffff  }
0xc3: {  	v2 =	vld.idx.msk [tilespmem:v2+s4+$0x0], $0xffff  }
0xc4: {  	v3 =	vld.idx.msk [tilespmem:v3+s4+$0x0], $0xffff  }
0xc5: {  	v4 =	vld.idx.msk [tilespmem:v4+s4+$0x0], $0xffff  }
0xc6: {  	v5 =	vld.idx.msk [tilespmem:v5+s4+$0x0], $0xffff  }
0xc7: {  	[tilespmem:s18+$0xFFFFFF90] =	vst v0;
	v7 =	vld.idx.msk [tilespmem:v7+s4+$0x0], $0xffff  }
0xc8: {  	v14 =	vld.idx.msk [tilespmem:v14+s4+$0x0], $0xffff;
	[tilespmem:s18+$0xFFFFFFA0] =	vst v1  }
0xc9: {  	[tilespmem:s18+$0xFFFFFFB0] =	vst v2;
	v8 =	vld.idx.msk [tilespmem:v8+s4+$0x0], $0xffff  }
0xca: {  	[tilespmem:s18+$0xFFFFFFC0] =	vst v3;
	v0 =	vld.idx.msk [tilespmem:v9+s4+$0x0], $0xffff  }
.Ltmp3:
0xcb: {  	[tilespmem:s18+$0xFFFFFFD0] =	vst v4;
	v1 =	vld.idx.msk [tilespmem:v10+s4+$0x0], $0xffff;
	(pc) =	sbr.rel @p0 .LBB2_5-.Ltmp3, $4  }
0xcc: {  	[tilespmem:s18+$0xFFFFFFE0] =	vst v5;
	v2 =	vld.idx.msk [tilespmem:v11+s4+$0x0], $0xffff  }
0xcd: {  	[tilespmem:s18+$0xFFFFFFF0] =	vst v7;
	v3 =	vld.idx.msk [tilespmem:v12+s4+$0x0], $0xffff  }
0xce: {  	[tilespmem:s18+$0xFFFFFF80] =	vst v14;
	v4 =	vld.idx.msk [tilespmem:v13+s4+$0x0], $0xffff  }
0xcf: {  	s0 =	sadd.s32 $0x100, s0;
	[tilespmem:s18+$0x0] =	vst v8;
	v5 =	vld.idx.msk [tilespmem:v6+s4+$0x0], $0xffff  }
0xd0: {  	[tilespmem:s18+$0x10] =	vst v0  }
0xd1: {  	[tilespmem:s18+$0x20] =	vst v1  }
0xd2: {  	[tilespmem:s18+$0x30] =	vst v2  }
0xd3: {  	[tilespmem:s18+$0x40] =	vst v3  }
0xd4: {  	[tilespmem:s18+$0x50] =	vst v4  }
0xd5: {  	[tilespmem:s18+$0x60] =	vst v5  }
0xd6: {  	[hbm4b:s26+s19] =	stream.strided.scatter [tilespmem:s25], [sflag:$0x5], $0x1000, s20, s19, $0x38;
	[tilespmem:$0x1D300] =	vst v63  }
0xd7: {  	_ =	swait.ge [sflag:s29], $0x1000  }
0xd8: {  	[sflag:s29] =	ssyncset.done $0x0  }
0xd9: {  	s0 =	sadd.s32 s11, s15;
	[sflag:s29] =	ssyncadd.s32 $0xFFFFF000  }
0xda: {  	[tilespmem:s30], [sflag:$0x3] =	stream.strided.gather [hbm4b:s0+s19], $0x1000, s20, s19, $0x38;
	[tilespmem:$0x1D300] =	vst v63  }
0xdb: {  	_ =	swait.ge [sflag:s31], $0x1000  }
0xdc: {  	[sflag:s31] =	ssyncset.done $0x0  }
0xdd: {  	s26 =	simm.s32 $0x19380;
	[sflag:s31] =	ssyncadd.s32 $0xFFFFF000  }
0xde: {  	v0 =	vld [tilespmem:s26+$0x70]  }
0xdf: {  	v1 =	vld [tilespmem:s26+$0xFFFFFF90]  }
0xe0: {  	v2 =	vld [tilespmem:s26+$0xFFFFFFA0]  }
0xe1: {  	v3 =	vld [tilespmem:s26+$0xFFFFFFB0]  }
0xe2: {  	v4 =	vld [tilespmem:s26+$0xFFFFFFC0]  }
0xe3: {  	v5 =	vld [tilespmem:s26+$0xFFFFFFD0]  }
0xe4: {  	v6 =	vld [tilespmem:s26+$0xFFFFFFE0]  }
0xe5: {  	v7 =	vld [tilespmem:s26+$0xFFFFFFF0]  }
0xe6: {  	v8 =	vld [tilespmem:s26+$0x0]  }
0xe7: {  	v9 =	vld [tilespmem:s26+$0x10]  }
0xe8: {  	v10 =	vld [tilespmem:s26+$0x20]  }
0xe9: {  	v11 =	vld [tilespmem:s26+$0x30]  }
0xea: {  	v12 =	vld [tilespmem:s26+$0x40]  }
0xeb: {  	v13 =	vld [tilespmem:s26+$0x50]  }
0xec: {  	v14 =	vld [tilespmem:s26+$0x60]  }
0xed: {  	v15 =	vld [tilespmem:s26+$0xFFFFFF80]  }
0xee: {  	v0 =	vld.idx.msk [tilespmem:v0+s4+$0x0], $0xffff  }
0xef: {  	v1 =	vld.idx.msk [tilespmem:v1+s4+$0x0], $0xffff  }
0xf0: {  	v2 =	vld.idx.msk [tilespmem:v2+s4+$0x0], $0xffff  }
0xf1: {  	v3 =	vld.idx.msk [tilespmem:v3+s4+$0x0], $0xffff  }
0xf2: {  	v4 =	vld.idx.msk [tilespmem:v4+s4+$0x0], $0xffff  }
0xf3: {  	s11 =	simm.s32 $0x1B380;
	v5 =	vld.idx.msk [tilespmem:v5+s4+$0x0], $0xffff  }
0xf4: {  	v6 =	vld.idx.msk [tilespmem:v6+s4+$0x0], $0xffff;
	[tilespmem:s11+$0x70] =	vst v0  }
0xf5: {  	v7 =	vld.idx.msk [tilespmem:v7+s4+$0x0], $0xffff;
	[tilespmem:s11+$0xFFFFFF90] =	vst v1  }
0xf6: {  	v15 =	vld.idx.msk [tilespmem:v15+s4+$0x0], $0xffff;
	[tilespmem:s11+$0xFFFFFFA0] =	vst v2  }
0xf7: {  	v8 =	vld.idx.msk [tilespmem:v8+s4+$0x0], $0xffff;
	[tilespmem:s11+$0xFFFFFFB0] =	vst v3  }
0xf8: {  	[tilespmem:s11+$0xFFFFFFC0] =	vst v4;
	v0 =	vld.idx.msk [tilespmem:v9+s4+$0x0], $0xffff  }
0xf9: {  	[tilespmem:s11+$0xFFFFFFD0] =	vst v5;
	v1 =	vld.idx.msk [tilespmem:v10+s4+$0x0], $0xffff  }
0xfa: {  	[tilespmem:s11+$0xFFFFFFE0] =	vst v6;
	v2 =	vld.idx.msk [tilespmem:v11+s4+$0x0], $0xffff  }
0xfb: {  	[tilespmem:s11+$0xFFFFFFF0] =	vst v7;
	v3 =	vld.idx.msk [tilespmem:v12+s4+$0x0], $0xffff  }
0xfc: {  	[tilespmem:s11+$0xFFFFFF80] =	vst v15;
	v4 =	vld.idx.msk [tilespmem:v13+s4+$0x0], $0xffff  }
0xfd: {  	s7 =	simm.s32 $0x0;
	s18 =	sadd.s32 s8, s16;
	s0 =	simm.s32 $0x19480;
	[tilespmem:s11+$0x0] =	vst v8;
	v5 =	vld.idx.msk [tilespmem:v14+s4+$0x0], $0xffff  }
.LBB2_7:
0xfe: {  	v6 =	vld [tilespmem:s0+$0x70];
	s7 =	sadd.s32 $0x10, s7;
	[tilespmem:s11+$0x10] =	vst v0  }
0xff: {  	v0 =	vld [tilespmem:s0+$0xFFFFFF90];
	p0 =	slt.u32 s7, $0xF0;
	[tilespmem:s11+$0x20] =	vst v1  }
0x100: {  	v1 =	vld [tilespmem:s0+$0xFFFFFFA0];
	[tilespmem:s11+$0x30] =	vst v2  }
0x101: {  	v2 =	vld [tilespmem:s0+$0xFFFFFFB0];
	[tilespmem:s11+$0x40] =	vst v3  }
0x102: {  	v3 =	vld [tilespmem:s0+$0xFFFFFFC0];
	[tilespmem:s11+$0x50] =	vst v4  }
0x103: {  	v4 =	vld [tilespmem:s0+$0xFFFFFFD0];
	[tilespmem:s11+$0x60] =	vst v5  }
0x104: {  	v5 =	vld [tilespmem:s0+$0xFFFFFFE0]  }
0x105: {  	v7 =	vld [tilespmem:s0+$0xFFFFFFF0]  }
0x106: {  	v6 =	vld.idx.msk [tilespmem:v6+s4+$0x0], $0xffff  }
0x107: {  	v8 =	vld [tilespmem:s0+$0x0]  }
0x108: {  	v9 =	vld [tilespmem:s0+$0x10]  }
0x109: {  	v10 =	vld [tilespmem:s0+$0x20]  }
0x10a: {  	v11 =	vld [tilespmem:s0+$0x30]  }
0x10b: {  	s11 =	sadd.s32 $0x100, s11;
	v12 =	vld [tilespmem:s0+$0x40]  }
0x10c: {  	v13 =	vld [tilespmem:s0+$0x50];
	[tilespmem:s11+$0x70] =	vst v6  }
0x10d: {  	v6 =	vld [tilespmem:s0+$0x60]  }
0x10e: {  	v14 =	vld [tilespmem:s0+$0xFFFFFF80]  }
0x10f: {  	v0 =	vld.idx.msk [tilespmem:v0+s4+$0x0], $0xffff  }
0x110: {  	v1 =	vld.idx.msk [tilespmem:v1+s4+$0x0], $0xffff  }
0x111: {  	v2 =	vld.idx.msk [tilespmem:v2+s4+$0x0], $0xffff  }
0x112: {  	v3 =	vld.idx.msk [tilespmem:v3+s4+$0x0], $0xffff  }
0x113: {  	v4 =	vld.idx.msk [tilespmem:v4+s4+$0x0], $0xffff  }
0x114: {  	v5 =	vld.idx.msk [tilespmem:v5+s4+$0x0], $0xffff  }
0x115: {  	[tilespmem:s11+$0xFFFFFF90] =	vst v0;
	v7 =	vld.idx.msk [tilespmem:v7+s4+$0x0], $0xffff  }
0x116: {  	v14 =	vld.idx.msk [tilespmem:v14+s4+$0x0], $0xffff;
	[tilespmem:s11+$0xFFFFFFA0] =	vst v1  }
0x117: {  	[tilespmem:s11+$0xFFFFFFB0] =	vst v2;
	v8 =	vld.idx.msk [tilespmem:v8+s4+$0x0], $0xffff  }
0x118: {  	[tilespmem:s11+$0xFFFFFFC0] =	vst v3;
	v0 =	vld.idx.msk [tilespmem:v9+s4+$0x0], $0xffff  }
.Ltmp4:
0x119: {  	[tilespmem:s11+$0xFFFFFFD0] =	vst v4;
	v1 =	vld.idx.msk [tilespmem:v10+s4+$0x0], $0xffff;
	(pc) =	sbr.rel @p0 .LBB2_7-.Ltmp4, $4  }
0x11a: {  	[tilespmem:s11+$0xFFFFFFE0] =	vst v5;
	v2 =	vld.idx.msk [tilespmem:v11+s4+$0x0], $0xffff  }
0x11b: {  	[tilespmem:s11+$0xFFFFFFF0] =	vst v7;
	v3 =	vld.idx.msk [tilespmem:v12+s4+$0x0], $0xffff  }
0x11c: {  	[tilespmem:s11+$0xFFFFFF80] =	vst v14;
	v4 =	vld.idx.msk [tilespmem:v13+s4+$0x0], $0xffff  }
0x11d: {  	s0 =	sadd.s32 $0x100, s0;
	[tilespmem:s11+$0x0] =	vst v8;
	v5 =	vld.idx.msk [tilespmem:v6+s4+$0x0], $0xffff  }
0x11e: {  	[tilespmem:s11+$0x10] =	vst v0  }
0x11f: {  	[tilespmem:s11+$0x20] =	vst v1  }
0x120: {  	p0 =	slt.s32 s10, $0x19E;
	[tilespmem:s11+$0x30] =	vst v2  }
0x121: {  	s10 =	simm.s32 @!p0 $0x19E;
	[tilespmem:s11+$0x40] =	vst v3  }
0x122: {  	p0 =	seq.s32 s22, $0xC;
	s10 =	sadd.s32 $0x1, s10;
	[tilespmem:s11+$0x50] =	vst v4  }
0x123: {  	s0 =	sshll.u32 @!p0 s10, $0x7;
	s7 =	sand.u32 @!p0 $0x70, s10;
	[tilespmem:s11+$0x60] =	vst v5  }
0x124: {  	[hbm4b:s18+s19] =	stream.strided.scatter [tilespmem:s24], [sflag:$0x4], $0x1000, s20, s19, $0x38;
	[tilespmem:$0x1D300] =	vst v63  }
0x125: {  	s0 =	sand.u32 @!p0 $0x1C000, s0;
	s7 =	sadd.s32 @!p0 s3, s7;
	_ =	swait.ge [sflag:s29], $0x1000  }
0x126: {  	s11 =	simm.s32 @!p0 $0x400;
	s0 =	sadd.s32 @!p0 s0, s7;
	[sflag:s29] =	ssyncset.done $0x0  }
0x127: {  	s7 =	simm.s32 @!p0 $0x80;
	s18 =	simm.s32 @!p0 $0x19300;
	[sflag:s29] =	ssyncadd.s32 $0xFFFFF000  }
0x128: {  	[tilespmem:s18], [sflag:$0x3] =	stream.strided.gather @!p0 [hbm4b:s0+s7], $0x1000, s11, s7, $0x38;
	[tilespmem:$0x1D300] =	vst v63  }
0x129: {  	_ =	swait.ge [sflag:s2], $0x1000  }
0x12a: {  	[sflag:s2] =	ssyncset.done $0x0  }
0x12b: {  	s26 =	simm.s32 $0x1A380;
	[sflag:s2] =	ssyncadd.s32 $0xFFFFF000  }
0x12c: {  	v0 =	vld [tilespmem:s26+$0x70]  }
0x12d: {  	v1 =	vld [tilespmem:s26+$0xFFFFFF90]  }
0x12e: {  	v2 =	vld [tilespmem:s26+$0xFFFFFFA0]  }
0x12f: {  	v3 =	vld [tilespmem:s26+$0xFFFFFFB0]  }
0x130: {  	v4 =	vld [tilespmem:s26+$0xFFFFFFC0]  }
0x131: {  	v5 =	vld [tilespmem:s26+$0xFFFFFFD0]  }
0x132: {  	v6 =	vld [tilespmem:s26+$0xFFFFFFE0]  }
0x133: {  	v7 =	vld [tilespmem:s26+$0xFFFFFFF0]  }
0x134: {  	v8 =	vld [tilespmem:s26+$0x0]  }
0x135: {  	v9 =	vld [tilespmem:s26+$0x10]  }
0x136: {  	v10 =	vld [tilespmem:s26+$0x20]  }
0x137: {  	v11 =	vld [tilespmem:s26+$0x30]  }
0x138: {  	v12 =	vld [tilespmem:s26+$0x40]  }
0x139: {  	v13 =	vld [tilespmem:s26+$0x50]  }
0x13a: {  	v14 =	vld [tilespmem:s26+$0x60]  }
0x13b: {  	v15 =	vld [tilespmem:s26+$0xFFFFFF80]  }
0x13c: {  	v0 =	vld.idx.msk [tilespmem:v0+s4+$0x0], $0xffff  }
0x13d: {  	v1 =	vld.idx.msk [tilespmem:v1+s4+$0x0], $0xffff  }
0x13e: {  	v2 =	vld.idx.msk [tilespmem:v2+s4+$0x0], $0xffff  }
0x13f: {  	v3 =	vld.idx.msk [tilespmem:v3+s4+$0x0], $0xffff  }
0x140: {  	v4 =	vld.idx.msk [tilespmem:v4+s4+$0x0], $0xffff  }
0x141: {  	s11 =	simm.s32 $0x1C380;
	v5 =	vld.idx.msk [tilespmem:v5+s4+$0x0], $0xffff  }
0x142: {  	v6 =	vld.idx.msk [tilespmem:v6+s4+$0x0], $0xffff;
	[tilespmem:s11+$0x70] =	vst v0  }
0x143: {  	v7 =	vld.idx.msk [tilespmem:v7+s4+$0x0], $0xffff;
	[tilespmem:s11+$0xFFFFFF90] =	vst v1  }
0x144: {  	v15 =	vld.idx.msk [tilespmem:v15+s4+$0x0], $0xffff;
	[tilespmem:s11+$0xFFFFFFA0] =	vst v2  }
0x145: {  	v8 =	vld.idx.msk [tilespmem:v8+s4+$0x0], $0xffff;
	[tilespmem:s11+$0xFFFFFFB0] =	vst v3  }
0x146: {  	[tilespmem:s11+$0xFFFFFFC0] =	vst v4;
	v0 =	vld.idx.msk [tilespmem:v9+s4+$0x0], $0xffff  }
0x147: {  	[tilespmem:s11+$0xFFFFFFD0] =	vst v5;
	v1 =	vld.idx.msk [tilespmem:v10+s4+$0x0], $0xffff  }
0x148: {  	[tilespmem:s11+$0xFFFFFFE0] =	vst v6;
	v2 =	vld.idx.msk [tilespmem:v11+s4+$0x0], $0xffff  }
0x149: {  	[tilespmem:s11+$0xFFFFFFF0] =	vst v7;
	v3 =	vld.idx.msk [tilespmem:v12+s4+$0x0], $0xffff  }
0x14a: {  	[tilespmem:s11+$0xFFFFFF80] =	vst v15;
	v4 =	vld.idx.msk [tilespmem:v13+s4+$0x0], $0xffff  }
0x14b: {  	s8 =	sadd.s32 s8, s17;
	s7 =	simm.s32 $0x0;
	s0 =	simm.s32 $0x1A480;
	[tilespmem:s11+$0x0] =	vst v8;
	v5 =	vld.idx.msk [tilespmem:v14+s4+$0x0], $0xffff  }
.LBB2_9:
0x14c: {  	v6 =	vld [tilespmem:s0+$0x70];
	s7 =	sadd.s32 $0x10, s7;
	[tilespmem:s11+$0x10] =	vst v0  }
0x14d: {  	v0 =	vld [tilespmem:s0+$0xFFFFFF90];
	p1 =	slt.u32 s7, $0xF0;
	[tilespmem:s11+$0x20] =	vst v1  }
0x14e: {  	v1 =	vld [tilespmem:s0+$0xFFFFFFA0];
	[tilespmem:s11+$0x30] =	vst v2  }
0x14f: {  	v2 =	vld [tilespmem:s0+$0xFFFFFFB0];
	[tilespmem:s11+$0x40] =	vst v3  }
0x150: {  	v3 =	vld [tilespmem:s0+$0xFFFFFFC0];
	[tilespmem:s11+$0x50] =	vst v4  }
0x151: {  	v4 =	vld [tilespmem:s0+$0xFFFFFFD0];
	[tilespmem:s11+$0x60] =	vst v5  }
0x152: {  	v5 =	vld [tilespmem:s0+$0xFFFFFFE0]  }
0x153: {  	v7 =	vld [tilespmem:s0+$0xFFFFFFF0]  }
0x154: {  	v6 =	vld.idx.msk [tilespmem:v6+s4+$0x0], $0xffff  }
0x155: {  	v8 =	vld [tilespmem:s0+$0x0]  }
0x156: {  	v9 =	vld [tilespmem:s0+$0x10]  }
0x157: {  	v10 =	vld [tilespmem:s0+$0x20]  }
0x158: {  	v11 =	vld [tilespmem:s0+$0x30]  }
0x159: {  	s11 =	sadd.s32 $0x100, s11;
	v12 =	vld [tilespmem:s0+$0x40]  }
0x15a: {  	v13 =	vld [tilespmem:s0+$0x50];
	[tilespmem:s11+$0x70] =	vst v6  }
0x15b: {  	v6 =	vld [tilespmem:s0+$0x60]  }
0x15c: {  	v14 =	vld [tilespmem:s0+$0xFFFFFF80]  }
0x15d: {  	v0 =	vld.idx.msk [tilespmem:v0+s4+$0x0], $0xffff  }
0x15e: {  	v1 =	vld.idx.msk [tilespmem:v1+s4+$0x0], $0xffff  }
0x15f: {  	v2 =	vld.idx.msk [tilespmem:v2+s4+$0x0], $0xffff  }
0x160: {  	v3 =	vld.idx.msk [tilespmem:v3+s4+$0x0], $0xffff  }
0x161: {  	v4 =	vld.idx.msk [tilespmem:v4+s4+$0x0], $0xffff  }
0x162: {  	v5 =	vld.idx.msk [tilespmem:v5+s4+$0x0], $0xffff  }
0x163: {  	[tilespmem:s11+$0xFFFFFF90] =	vst v0;
	v7 =	vld.idx.msk [tilespmem:v7+s4+$0x0], $0xffff  }
0x164: {  	v14 =	vld.idx.msk [tilespmem:v14+s4+$0x0], $0xffff;
	[tilespmem:s11+$0xFFFFFFA0] =	vst v1  }
0x165: {  	[tilespmem:s11+$0xFFFFFFB0] =	vst v2;
	v8 =	vld.idx.msk [tilespmem:v8+s4+$0x0], $0xffff  }
0x166: {  	[tilespmem:s11+$0xFFFFFFC0] =	vst v3;
	v0 =	vld.idx.msk [tilespmem:v9+s4+$0x0], $0xffff  }
.Ltmp5:
0x167: {  	[tilespmem:s11+$0xFFFFFFD0] =	vst v4;
	v1 =	vld.idx.msk [tilespmem:v10+s4+$0x0], $0xffff;
	(pc) =	sbr.rel @p1 .LBB2_9-.Ltmp5, $4  }
0x168: {  	[tilespmem:s11+$0xFFFFFFE0] =	vst v5;
	v2 =	vld.idx.msk [tilespmem:v11+s4+$0x0], $0xffff  }
0x169: {  	[tilespmem:s11+$0xFFFFFFF0] =	vst v7;
	v3 =	vld.idx.msk [tilespmem:v12+s4+$0x0], $0xffff  }
0x16a: {  	[tilespmem:s11+$0xFFFFFF80] =	vst v14;
	v4 =	vld.idx.msk [tilespmem:v13+s4+$0x0], $0xffff  }
0x16b: {  	s0 =	sadd.s32 $0x100, s0;
	[tilespmem:s11+$0x0] =	vst v8;
	v5 =	vld.idx.msk [tilespmem:v6+s4+$0x0], $0xffff  }
0x16c: {  	[tilespmem:s11+$0x10] =	vst v0  }
0x16d: {  	[tilespmem:s11+$0x20] =	vst v1  }
.Ltmp6:
0x16e: {  	[tilespmem:s11+$0x30] =	vst v2;
	(pc) =	sbr.rel @p0 .LBB2_12-.Ltmp6, $4  }
0x16f: {  	[tilespmem:s11+$0x40] =	vst v3  }
0x170: {  	[tilespmem:s11+$0x50] =	vst v4  }
0x171: {  	[tilespmem:s11+$0x60] =	vst v5  }
0x172: {  	[hbm4b:s8+s19] =	stream.strided.scatter [tilespmem:s25], [sflag:$0x5], $0x1000, s20, s19, $0x38;
	[tilespmem:$0x1D300] =	vst v63  }
0x173: {  	s0 =	sshrl.u32 s10, $0x3  }
0x174: {  	s7 =	sshll.u32 s10, $0x7;
	s0 =	smul.u32 $0xC3800, s0  }
0x175: {  	s7 =	sand.u32 $0x380, s7  }
0x176: {  	s0 =	sor.u32 s7, s0  }
.Ltmp7:
0x177: {  	s7 =	sshrl.u32 s0, $0x3;
	s0 =	sadd.s32 $0x61800, s0;
	(pc) =	sbr.rel .LBB2_2-.Ltmp7, $4  }
0x178: {  	s7 =	sadd.s32 s1, s7;
	s0 =	sshrl.u32 s0, $0x3  }
0x179: {  	[tilespmem:s4], [sflag:$0x1] =	stream.strided.gather [hbm4b:s7+s19], $0xC300, s20, s19, $0x38;
	[tilespmem:$0x1D300] =	vst v63  }
0x17a: {  	s22 =	sadd.s32 $0x1, s22;
	s0 =	sadd.s32 s1, s0  }
0x17b: {  	[tilespmem:s21], [sflag:$0x1] =	stream.strided.gather [hbm4b:s0+s19], $0xC380, s20, s19, $0x38;
	[tilespmem:$0x1D300] =	vst v63  }
.LBB2_13:
0x17c: {  	_ =	sfence.sel $0x180000  }
0x17d: {  	[bflag:$0x0] =	sbarrier.arrive $0xFFFF  }
0x17e: {  	_ =	strace $0x90000047  }
0x17f: {  	s0 =	stileid.u32;
	[bflag:$0x2] =	sbarrier.arrive $0xFFFF  }
0x180: {  	p0 =	sne.s32 s0, $0x0;
	s0 =	rddreg [dreg:$0x3]  }
0x181: {  	s0 =	sadd.s32 @!p0 $0x100000, s0  }
0x182: {  	[sflag:s0] =	ssyncadd.tile.s32 @!p0 $0x1;
	_ =	shalt  }
.Lfunc_end2:
_tile_overlayer_lowered:
.L_overlay_start_2:
0x183: {  	(tag) =	ssettag $0x2  }
0x184: {  	s0 =	rddreg [dreg:$0x0];
	s2 =	stileid.u32  }
0x185: {  	s1 =	rddreg [dreg:$0x1];
	p0 =	sne.s32 s2, $0x0  }
0x186: {  	s3 =	rddreg [dreg:$0x2];
	[bflag:$0x3] =	sbarrier.arrive $0xFFFF;
	s2 =	simm.s32 @!p0 $0x1C06  }
0x187: {  	[timem:s3], [sflag:s2] =	dma.local @!p0 [hbm:s0], s1  }
0x188: {  	s0 =	simm.s32 @!p0 $0x6  }
0x189: {  	_ =	swait.ge @!p0 [sflag:s0], s1  }
0x18a: {  	s1 =	ssub.s32 @!p0 $0x0, s1;
	[sflag:s0] =	ssyncset.done @!p0 $0x0  }
0x18b: {  	[sflag:s0] =	ssyncadd.s32 @!p0 s1  }
0x18c: {  	[bflag:$0x3] =	sbarrier.arrive $0xFFFF  }
0x18d: {  	_ =	shalt  }

</sc_bundles>
